<compile_context>
chip_gen: v7x
topology: tpu7x:2x2x1
jax: 0.10.2.dev20260603
libtpu: 0.0.44.dev20260713+nightly
codegen_flags: <defaults>
</compile_context>

<pallas_src>
import functools

import jax
import jax.numpy as jnp
from jax import lax
from jax.experimental import pallas as pl
from jax.experimental.pallas import tpu as pltpu
from jax.experimental.pallas import tpu_sc as plsc

_info = plsc.get_sparse_core_info()
_NC, _NS, _L = _info.num_cores, _info.num_subcores, _info.num_lanes
_NW = _NC * _NS


def _make_sc_score(batch, dim):
  half = dim // 2
  bpw = batch // _NW
  hb = bpw // 2
  gph = hb // _L
  mesh = plsc.VectorSubcoreMesh(core_axis_name="c", subcore_axis_name="s")

  @functools.partial(
      pl.kernel,
      mesh=mesh,
      out_type=jax.ShapeDtypeStruct((batch,), jnp.float32),
      compiler_params=pltpu.CompilerParams(needs_layout_passes=False),
      scratch_types=[
          pltpu.VMEM((bpw,), jnp.int32),
          pltpu.VMEM((bpw,), jnp.int32),
          pltpu.VMEM((bpw,), jnp.int32),
          pltpu.VMEM((bpw, dim), jnp.float32),
          pltpu.VMEM((bpw, dim), jnp.float32),
          pltpu.VMEM((bpw, dim), jnp.float32),
          pltpu.VMEM((bpw,), jnp.float32),
          pltpu.SemaphoreType.DMA,
          pltpu.SemaphoreType.DMA,
          pltpu.SemaphoreType.DMA,
          pltpu.SemaphoreType.DMA,
          pltpu.SemaphoreType.DMA,
      ],
  )
  def sc_score(hidx_hbm, ridx_hbm, tidx_hbm, ent_hbm, rel_hbm, out_hbm,
               hidx_v, ridx_v, tidx_v, hrow_v, rrow_v, trow_v, out_v,
               semh, semr, semt, sem0, sem1):
    wid = lax.axis_index("s") * _NC + lax.axis_index("c")
    base = wid * bpw
    sl_all = pl.ds(base, bpw)
    ch_i = pltpu.async_copy(hidx_hbm.at[sl_all], hidx_v, semh)
    cr_i = pltpu.async_copy(ridx_hbm.at[sl_all], ridx_v, semr)
    ct_i = pltpu.async_copy(tidx_hbm.at[sl_all], tidx_v, semt)

    sems = (sem0, sem1)
    sls = tuple(pl.ds(h * hb, hb) for h in range(2))
    ch_i.wait()
    gh = [pltpu.async_copy(ent_hbm.at[hidx_v.at[sls[h]]], hrow_v.at[sls[h]],
                           sems[h]) for h in range(2)]
    cr_i.wait()
    gr = [pltpu.async_copy(rel_hbm.at[ridx_v.at[sls[h]]], rrow_v.at[sls[h]],
                           sems[h]) for h in range(2)]
    ct_i.wait()
    gt = [pltpu.async_copy(ent_hbm.at[tidx_v.at[sls[h]]], trow_v.at[sls[h]],
                           sems[h]) for h in range(2)]
    copies = [(gh[h], gr[h], gt[h]) for h in range(2)]

    lane = lax.iota(jnp.int32, _L)

    for h in range(2):
      for c in copies[h]:
        c.wait()
      rows = [h * hb + g * _L + lane for g in range(gph)]

      def dim_body(d, accs, rows=rows):
        rot = (lane + d) & (half - 1)
        im_col = rot + half
        out = []
        for g in range(gph):
          rh = plsc.load_gather(hrow_v, [rows[g], rot])
          ih = plsc.load_gather(hrow_v, [rows[g], im_col])
          rr = plsc.load_gather(rrow_v, [rows[g], rot])
          ir = plsc.load_gather(rrow_v, [rows[g], im_col])
          rt = plsc.load_gather(trow_v, [rows[g], rot])
          it = plsc.load_gather(trow_v, [rows[g], im_col])
          out.append(accs[g] + (rh * rr - ih * ir) * rt
                     + (rh * ir + ih * rr) * it)
        return tuple(out)

      accs = lax.fori_loop(
          0, half, dim_body,
          tuple(jnp.zeros((_L,), jnp.float32) for _ in range(gph)))
      for g in range(gph):
        out_v[pl.ds(h * hb + g * _L, _L)] = accs[g]

    pltpu.sync_copy(out_v, out_hbm.at[pl.ds(base, bpw)])

  return sc_score


def kernel(sample, entity_embedding, relation_embedding):
  batch = sample.shape[0]
  dim = entity_embedding.shape[1]
  hidx = sample[:, 0]
  ridx = sample[:, 1]
  tidx = sample[:, 2]
  score = _make_sc_score(batch, dim)(
      hidx, ridx, tidx, entity_embedding, relation_embedding)
  return score.reshape(batch, 1)

# --- scband reference (transcript-rebuilt; emitter-appended) ---
"""Pipeline reference for scband-kgemodel-41283225649492 (READ-ONLY COPY).

The authoritative reference and input builder live on the scoring server;
editing this copy changes nothing except your own understanding.
"""

import jax, jax.numpy as jnp
import numpy as np

NENTITY = 100000
NRELATION = 1000
HIDDEN_DIM = 128
GAMMA = 12.0
EPSILON = 2.0
BATCH = 4096


def setup_inputs(seed: int = 0) -> dict:
    key = jax.random.key(seed)
    k1, k2, k3 = jax.random.split(key, 3)
    embedding_range = (GAMMA + EPSILON) / HIDDEN_DIM
    sample = jax.random.randint(k1, (BATCH, 3), 0, NRELATION)
    entity_embedding = jax.random.uniform(
        k2, (NENTITY, HIDDEN_DIM), dtype=jnp.float32,
        minval=-embedding_range, maxval=embedding_range)
    relation_embedding = jax.random.uniform(
        k3, (NRELATION, HIDDEN_DIM), dtype=jnp.float32,
        minval=-embedding_range, maxval=embedding_range)
    return {
        "sample": sample,
        "entity_embedding": entity_embedding,
        "relation_embedding": relation_embedding,
    }


def reference(sample, entity_embedding, relation_embedding):
    # mode == 'single'
    head = jnp.take(entity_embedding, sample[:, 0], axis=0)[:, None, :]
    relation = jnp.take(relation_embedding, sample[:, 1], axis=0)[:, None, :]
    tail = jnp.take(entity_embedding, sample[:, 2], axis=0)[:, None, :]

    re_head, im_head = jnp.split(head, 2, axis=2)
    re_relation, im_relation = jnp.split(relation, 2, axis=2)
    re_tail, im_tail = jnp.split(tail, 2, axis=2)

    re_score = re_head * re_relation - im_head * im_relation
    im_score = re_head * im_relation + im_head * re_relation
    score = re_score * re_tail + im_score * im_tail
    score = jnp.sum(score, axis=2)
    return score

if __name__ == "__main__":
    import jax
    _d = setup_inputs()
    print(jax.jit(kernel)(*tuple(_d.values())))

</pallas_src>

<mosaic_0001>
#map = affine_map<(d0, d1) -> (0)>
#map1 = affine_map<(d0, d1) -> (0, 0)>
module attributes {stable_mosaic.version = 14 : i64} {
  func.func @sc_score(%arg0: i32, %arg1: i32, %arg2: memref<4096xi32, #tpu.memory_space<hbm>>, %arg3: memref<4096xi32, #tpu.memory_space<hbm>>, %arg4: memref<4096xi32, #tpu.memory_space<hbm>>, %arg5: memref<100000x128xf32, #tpu.memory_space<hbm>>, %arg6: memref<1000x128xf32, #tpu.memory_space<hbm>>, %arg7: memref<4096xf32, #tpu.memory_space<hbm>>, %arg8: memref<128xi32, #tpu.memory_space<vmem>>, %arg9: memref<128xi32, #tpu.memory_space<vmem>>, %arg10: memref<128xi32, #tpu.memory_space<vmem>>, %arg11: memref<128x128xf32, #tpu.memory_space<vmem>>, %arg12: memref<128x128xf32, #tpu.memory_space<vmem>>, %arg13: memref<128x128xf32, #tpu.memory_space<vmem>>, %arg14: memref<128xf32, #tpu.memory_space<vmem>>, %arg15: memref<!tpu.dma_semaphore, #tpu.memory_space<semaphore_mem>>, %arg16: memref<!tpu.dma_semaphore, #tpu.memory_space<semaphore_mem>>, %arg17: memref<!tpu.dma_semaphore, #tpu.memory_space<semaphore_mem>>, %arg18: memref<!tpu.dma_semaphore, #tpu.memory_space<semaphore_mem>>, %arg19: memref<!tpu.dma_semaphore, #tpu.memory_space<semaphore_mem>>) attributes {dimension_semantics = [#tpu.dimension_semantics<core_parallel>, #tpu.dimension_semantics<subcore_parallel>], iteration_bounds = array<i64: 2, 16>, scalar_prefetch = 0 : i64, scratch_operands = 12 : i64, tpu.core_type = #tpu.core_type<sc_vector_subcore>, window_params = [{transform_indices = #map}, {transform_indices = #map}, {transform_indices = #map}, {transform_indices = #map1}, {transform_indices = #map1}, {transform_indices = #map}]} {
    %mul3A = arith.constant 2 : i32
    %mul3A_0 = arith.muli %arg1, %mul3A : i32
    %add3A = arith.addi %mul3A_0, %arg0 : i32
    %mul3A_1 = arith.constant 128 : i32
    %mul3A_2 = arith.muli %add3A, %mul3A_1 : i32
    %dma_start3A = tpu.memref_slice %arg2[%mul3A_2] : memref<4096xi32, #tpu.memory_space<hbm>> -> memref<128xi32, #tpu.memory_space<hbm>>
    %dma_start3A_3 = tpu.memref_slice %arg2[%mul3A_2] : memref<4096xi32, #tpu.memory_space<hbm>> -> memref<128xi32, #tpu.memory_space<hbm>>
    tpu.enqueue_dma source(%dma_start3A_3 : memref<128xi32, #tpu.memory_space<hbm>>) target(%arg8 : memref<128xi32, #tpu.memory_space<vmem>>) target_semaphore(%arg15 : memref<!tpu.dma_semaphore, #tpu.memory_space<semaphore_mem>>)
    %dma_start3A_4 = tpu.memref_slice %arg3[%mul3A_2] : memref<4096xi32, #tpu.memory_space<hbm>> -> memref<128xi32, #tpu.memory_space<hbm>>
    %dma_start3A_5 = tpu.memref_slice %arg3[%mul3A_2] : memref<4096xi32, #tpu.memory_space<hbm>> -> memref<128xi32, #tpu.memory_space<hbm>>
    tpu.enqueue_dma source(%dma_start3A_5 : memref<128xi32, #tpu.memory_space<hbm>>) target(%arg9 : memref<128xi32, #tpu.memory_space<vmem>>) target_semaphore(%arg16 : memref<!tpu.dma_semaphore, #tpu.memory_space<semaphore_mem>>)
    %dma_start3A_6 = tpu.memref_slice %arg4[%mul3A_2] : memref<4096xi32, #tpu.memory_space<hbm>> -> memref<128xi32, #tpu.memory_space<hbm>>
    %dma_start3A_7 = tpu.memref_slice %arg4[%mul3A_2] : memref<4096xi32, #tpu.memory_space<hbm>> -> memref<128xi32, #tpu.memory_space<hbm>>
    tpu.enqueue_dma source(%dma_start3A_7 : memref<128xi32, #tpu.memory_space<hbm>>) target(%arg10 : memref<128xi32, #tpu.memory_space<vmem>>) target_semaphore(%arg17 : memref<!tpu.dma_semaphore, #tpu.memory_space<semaphore_mem>>)
    %dma_wait3A = tpu.memref_slice %arg2[%mul3A_2] : memref<4096xi32, #tpu.memory_space<hbm>> -> memref<128xi32, #tpu.memory_space<hbm>>
    %dma_wait3A_8 = tpu.memref_slice %arg2[%mul3A_2] : memref<4096xi32, #tpu.memory_space<hbm>> -> memref<128xi32, #tpu.memory_space<hbm>>
    tpu.wait_dma2 semaphore(%arg15 : memref<!tpu.dma_semaphore, #tpu.memory_space<semaphore_mem>>) src(%dma_wait3A_8 : memref<128xi32, #tpu.memory_space<hbm>>) dst(%arg8 : memref<128xi32, #tpu.memory_space<vmem>>)
    %dma_start3A_9 = arith.constant 0 : i32
    %dma_start3A_10 = arith.constant 0 : i32
    %dma_start3A_11 = tpu.memref_slice %arg11[%dma_start3A_9, %dma_start3A_10] : memref<128x128xf32, #tpu.memory_space<vmem>> -> memref<64x128xf32, #tpu.memory_space<vmem>>
    %dma_start3A_12 = arith.constant 0 : i32
    %dma_start3A_13 = tpu.memref_slice %arg8[%dma_start3A_12] : memref<128xi32, #tpu.memory_space<vmem>> -> memref<64xi32, #tpu.memory_space<vmem>>
    %dma_start3A_14 = arith.constant 0 : i32
    %dma_start3A_15 = arith.constant 0 : i32
    %dma_start3A_16 = tpu.memref_slice %arg5[%dma_start3A_14, %dma_start3A_15] : memref<100000x128xf32, #tpu.memory_space<hbm>> -> memref<100000x128xf32, #tpu.memory_space<hbm>>
    tpu.enqueue_indirect_dma source(%dma_start3A_16 : memref<100000x128xf32, #tpu.memory_space<hbm>>) target(%dma_start3A_11 : memref<64x128xf32, #tpu.memory_space<vmem>>) offsets(%dma_start3A_13 : memref<64xi32, #tpu.memory_space<vmem>>) semaphore(%arg18 : memref<!tpu.dma_semaphore, #tpu.memory_space<semaphore_mem>>)
    %dma_start3A_17 = arith.constant 64 : i32
    %dma_start3A_18 = arith.constant 0 : i32
    %dma_start3A_19 = tpu.memref_slice %arg11[%dma_start3A_17, %dma_start3A_18] : memref<128x128xf32, #tpu.memory_space<vmem>> -> memref<64x128xf32, #tpu.memory_space<vmem>>
    %dma_start3A_20 = arith.constant 64 : i32
    %dma_start3A_21 = tpu.memref_slice %arg8[%dma_start3A_20] : memref<128xi32, #tpu.memory_space<vmem>> -> memref<64xi32, #tpu.memory_space<vmem>>
    %dma_start3A_22 = arith.constant 0 : i32
    %dma_start3A_23 = arith.constant 0 : i32
    %dma_start3A_24 = tpu.memref_slice %arg5[%dma_start3A_22, %dma_start3A_23] : memref<100000x128xf32, #tpu.memory_space<hbm>> -> memref<100000x128xf32, #tpu.memory_space<hbm>>
    tpu.enqueue_indirect_dma source(%dma_start3A_24 : memref<100000x128xf32, #tpu.memory_space<hbm>>) target(%dma_start3A_19 : memref<64x128xf32, #tpu.memory_space<vmem>>) offsets(%dma_start3A_21 : memref<64xi32, #tpu.memory_space<vmem>>) semaphore(%arg19 : memref<!tpu.dma_semaphore, #tpu.memory_space<semaphore_mem>>)
    %dma_wait3A_25 = tpu.memref_slice %arg3[%mul3A_2] : memref<4096xi32, #tpu.memory_space<hbm>> -> memref<128xi32, #tpu.memory_space<hbm>>
    %dma_wait3A_26 = tpu.memref_slice %arg3[%mul3A_2] : memref<4096xi32, #tpu.memory_space<hbm>> -> memref<128xi32, #tpu.memory_space<hbm>>
    tpu.wait_dma2 semaphore(%arg16 : memref<!tpu.dma_semaphore, #tpu.memory_space<semaphore_mem>>) src(%dma_wait3A_26 : memref<128xi32, #tpu.memory_space<hbm>>) dst(%arg9 : memref<128xi32, #tpu.memory_space<vmem>>)
    %dma_start3A_27 = arith.constant 0 : i32
    %dma_start3A_28 = arith.constant 0 : i32
    %dma_start3A_29 = tpu.memref_slice %arg12[%dma_start3A_27, %dma_start3A_28] : memref<128x128xf32, #tpu.memory_space<vmem>> -> memref<64x128xf32, #tpu.memory_space<vmem>>
    %dma_start3A_30 = arith.constant 0 : i32
    %dma_start3A_31 = tpu.memref_slice %arg9[%dma_start3A_30] : memref<128xi32, #tpu.memory_space<vmem>> -> memref<64xi32, #tpu.memory_space<vmem>>
    %dma_start3A_32 = arith.constant 0 : i32
    %dma_start3A_33 = arith.constant 0 : i32
    %dma_start3A_34 = tpu.memref_slice %arg6[%dma_start3A_32, %dma_start3A_33] : memref<1000x128xf32, #tpu.memory_space<hbm>> -> memref<1000x128xf32, #tpu.memory_space<hbm>>
    tpu.enqueue_indirect_dma source(%dma_start3A_34 : memref<1000x128xf32, #tpu.memory_space<hbm>>) target(%dma_start3A_29 : memref<64x128xf32, #tpu.memory_space<vmem>>) offsets(%dma_start3A_31 : memref<64xi32, #tpu.memory_space<vmem>>) semaphore(%arg18 : memref<!tpu.dma_semaphore, #tpu.memory_space<semaphore_mem>>)
    %dma_start3A_35 = arith.constant 64 : i32
    %dma_start3A_36 = arith.constant 0 : i32
    %dma_start3A_37 = tpu.memref_slice %arg12[%dma_start3A_35, %dma_start3A_36] : memref<128x128xf32, #tpu.memory_space<vmem>> -> memref<64x128xf32, #tpu.memory_space<vmem>>
    %dma_start3A_38 = arith.constant 64 : i32
    %dma_start3A_39 = tpu.memref_slice %arg9[%dma_start3A_38] : memref<128xi32, #tpu.memory_space<vmem>> -> memref<64xi32, #tpu.memory_space<vmem>>
    %dma_start3A_40 = arith.constant 0 : i32
    %dma_start3A_41 = arith.constant 0 : i32
    %dma_start3A_42 = tpu.memref_slice %arg6[%dma_start3A_40, %dma_start3A_41] : memref<1000x128xf32, #tpu.memory_space<hbm>> -> memref<1000x128xf32, #tpu.memory_space<hbm>>
    tpu.enqueue_indirect_dma source(%dma_start3A_42 : memref<1000x128xf32, #tpu.memory_space<hbm>>) target(%dma_start3A_37 : memref<64x128xf32, #tpu.memory_space<vmem>>) offsets(%dma_start3A_39 : memref<64xi32, #tpu.memory_space<vmem>>) semaphore(%arg19 : memref<!tpu.dma_semaphore, #tpu.memory_space<semaphore_mem>>)
    %dma_wait3A_43 = tpu.memref_slice %arg4[%mul3A_2] : memref<4096xi32, #tpu.memory_space<hbm>> -> memref<128xi32, #tpu.memory_space<hbm>>
    %dma_wait3A_44 = tpu.memref_slice %arg4[%mul3A_2] : memref<4096xi32, #tpu.memory_space<hbm>> -> memref<128xi32, #tpu.memory_space<hbm>>
    tpu.wait_dma2 semaphore(%arg17 : memref<!tpu.dma_semaphore, #tpu.memory_space<semaphore_mem>>) src(%dma_wait3A_44 : memref<128xi32, #tpu.memory_space<hbm>>) dst(%arg10 : memref<128xi32, #tpu.memory_space<vmem>>)
    %dma_start3A_45 = arith.constant 0 : i32
    %dma_start3A_46 = arith.constant 0 : i32
    %dma_start3A_47 = tpu.memref_slice %arg13[%dma_start3A_45, %dma_start3A_46] : memref<128x128xf32, #tpu.memory_space<vmem>> -> memref<64x128xf32, #tpu.memory_space<vmem>>
    %dma_start3A_48 = arith.constant 0 : i32
    %dma_start3A_49 = tpu.memref_slice %arg10[%dma_start3A_48] : memref<128xi32, #tpu.memory_space<vmem>> -> memref<64xi32, #tpu.memory_space<vmem>>
    %dma_start3A_50 = arith.constant 0 : i32
    %dma_start3A_51 = arith.constant 0 : i32
    %dma_start3A_52 = tpu.memref_slice %arg5[%dma_start3A_50, %dma_start3A_51] : memref<100000x128xf32, #tpu.memory_space<hbm>> -> memref<100000x128xf32, #tpu.memory_space<hbm>>
    tpu.enqueue_indirect_dma source(%dma_start3A_52 : memref<100000x128xf32, #tpu.memory_space<hbm>>) target(%dma_start3A_47 : memref<64x128xf32, #tpu.memory_space<vmem>>) offsets(%dma_start3A_49 : memref<64xi32, #tpu.memory_space<vmem>>) semaphore(%arg18 : memref<!tpu.dma_semaphore, #tpu.memory_space<semaphore_mem>>)
    %dma_start3A_53 = arith.constant 64 : i32
    %dma_start3A_54 = arith.constant 0 : i32
    %dma_start3A_55 = tpu.memref_slice %arg13[%dma_start3A_53, %dma_start3A_54] : memref<128x128xf32, #tpu.memory_space<vmem>> -> memref<64x128xf32, #tpu.memory_space<vmem>>
    %dma_start3A_56 = arith.constant 64 : i32
    %dma_start3A_57 = tpu.memref_slice %arg10[%dma_start3A_56] : memref<128xi32, #tpu.memory_space<vmem>> -> memref<64xi32, #tpu.memory_space<vmem>>
    %dma_start3A_58 = arith.constant 0 : i32
    %dma_start3A_59 = arith.constant 0 : i32
    %dma_start3A_60 = tpu.memref_slice %arg5[%dma_start3A_58, %dma_start3A_59] : memref<100000x128xf32, #tpu.memory_space<hbm>> -> memref<100000x128xf32, #tpu.memory_space<hbm>>
    tpu.enqueue_indirect_dma source(%dma_start3A_60 : memref<100000x128xf32, #tpu.memory_space<hbm>>) target(%dma_start3A_55 : memref<64x128xf32, #tpu.memory_space<vmem>>) offsets(%dma_start3A_57 : memref<64xi32, #tpu.memory_space<vmem>>) semaphore(%arg19 : memref<!tpu.dma_semaphore, #tpu.memory_space<semaphore_mem>>)
    %iota3A = tpu.iota {dimensions = array<i32: 0>} : vector<16xi32>
    %dma_wait3A_61 = arith.constant 0 : i32
    %dma_wait3A_62 = arith.constant 0 : i32
    %dma_wait3A_63 = tpu.memref_slice %arg11[%dma_wait3A_61, %dma_wait3A_62] : memref<128x128xf32, #tpu.memory_space<vmem>> -> memref<64x128xf32, #tpu.memory_space<vmem>>
    %dma_wait3A_64 = arith.constant 0 : i32
    %dma_wait3A_65 = tpu.memref_slice %arg8[%dma_wait3A_64] : memref<128xi32, #tpu.memory_space<vmem>> -> memref<64xi32, #tpu.memory_space<vmem>>
    %dma_wait3A_66 = arith.constant 0 : i32
    %dma_wait3A_67 = arith.constant 0 : i32
    %dma_wait3A_68 = tpu.memref_slice %arg5[%dma_wait3A_66, %dma_wait3A_67] : memref<100000x128xf32, #tpu.memory_space<hbm>> -> memref<100000x128xf32, #tpu.memory_space<hbm>>
    tpu.wait_indirect_dma semaphore(%arg18 : memref<!tpu.dma_semaphore, #tpu.memory_space<semaphore_mem>>) src(%dma_wait3A_68 : memref<100000x128xf32, #tpu.memory_space<hbm>>) dst(%dma_wait3A_63 : memref<64x128xf32, #tpu.memory_space<vmem>>)
    %dma_wait3A_69 = arith.constant 0 : i32
    %dma_wait3A_70 = arith.constant 0 : i32
    %dma_wait3A_71 = tpu.memref_slice %arg12[%dma_wait3A_69, %dma_wait3A_70] : memref<128x128xf32, #tpu.memory_space<vmem>> -> memref<64x128xf32, #tpu.memory_space<vmem>>
    %dma_wait3A_72 = arith.constant 0 : i32
    %dma_wait3A_73 = tpu.memref_slice %arg9[%dma_wait3A_72] : memref<128xi32, #tpu.memory_space<vmem>> -> memref<64xi32, #tpu.memory_space<vmem>>
    %dma_wait3A_74 = arith.constant 0 : i32
    %dma_wait3A_75 = arith.constant 0 : i32
    %dma_wait3A_76 = tpu.memref_slice %arg6[%dma_wait3A_74, %dma_wait3A_75] : memref<1000x128xf32, #tpu.memory_space<hbm>> -> memref<1000x128xf32, #tpu.memory_space<hbm>>
    tpu.wait_indirect_dma semaphore(%arg18 : memref<!tpu.dma_semaphore, #tpu.memory_space<semaphore_mem>>) src(%dma_wait3A_76 : memref<1000x128xf32, #tpu.memory_space<hbm>>) dst(%dma_wait3A_71 : memref<64x128xf32, #tpu.memory_space<vmem>>)
    %dma_wait3A_77 = arith.constant 0 : i32
    %dma_wait3A_78 = arith.constant 0 : i32
    %dma_wait3A_79 = tpu.memref_slice %arg13[%dma_wait3A_77, %dma_wait3A_78] : memref<128x128xf32, #tpu.memory_space<vmem>> -> memref<64x128xf32, #tpu.memory_space<vmem>>
    %dma_wait3A_80 = arith.constant 0 : i32
    %dma_wait3A_81 = tpu.memref_slice %arg10[%dma_wait3A_80] : memref<128xi32, #tpu.memory_space<vmem>> -> memref<64xi32, #tpu.memory_space<vmem>>
    %dma_wait3A_82 = arith.constant 0 : i32
    %dma_wait3A_83 = arith.constant 0 : i32
    %dma_wait3A_84 = tpu.memref_slice %arg5[%dma_wait3A_82, %dma_wait3A_83] : memref<100000x128xf32, #tpu.memory_space<hbm>> -> memref<100000x128xf32, #tpu.memory_space<hbm>>
    tpu.wait_indirect_dma semaphore(%arg18 : memref<!tpu.dma_semaphore, #tpu.memory_space<semaphore_mem>>) src(%dma_wait3A_84 : memref<100000x128xf32, #tpu.memory_space<hbm>>) dst(%dma_wait3A_79 : memref<64x128xf32, #tpu.memory_space<vmem>>)
    %add3A_85 = arith.constant 0 : i32
    %add3A_86 = vector.broadcast %add3A_85 : i32 to vector<16xi32>
    %add3A_87 = arith.addi %add3A_86, %iota3A : vector<16xi32>
    %add3A_88 = arith.constant 16 : i32
    %add3A_89 = vector.broadcast %add3A_88 : i32 to vector<16xi32>
    %add3A_90 = arith.addi %add3A_89, %iota3A : vector<16xi32>
    %add3A_91 = arith.constant 32 : i32
    %add3A_92 = vector.broadcast %add3A_91 : i32 to vector<16xi32>
    %add3A_93 = arith.addi %add3A_92, %iota3A : vector<16xi32>
    %add3A_94 = arith.constant 48 : i32
    %add3A_95 = vector.broadcast %add3A_94 : i32 to vector<16xi32>
    %add3A_96 = arith.addi %add3A_95, %iota3A : vector<16xi32>
    %broadcast_in_dim3A = arith.constant 0.000000e+00 : f32
    %broadcast_in_dim3A_97 = vector.broadcast %broadcast_in_dim3A : f32 to vector<16xf32>
    %broadcast_in_dim3A_98 = arith.constant 0.000000e+00 : f32
    %broadcast_in_dim3A_99 = vector.broadcast %broadcast_in_dim3A_98 : f32 to vector<16xf32>
    %broadcast_in_dim3A_100 = arith.constant 0.000000e+00 : f32
    %broadcast_in_dim3A_101 = vector.broadcast %broadcast_in_dim3A_100 : f32 to vector<16xf32>
    %broadcast_in_dim3A_102 = arith.constant 0.000000e+00 : f32
    %broadcast_in_dim3A_103 = vector.broadcast %broadcast_in_dim3A_102 : f32 to vector<16xf32>
    %scan3A = arith.constant 0 : i32
    %scan3A_104 = arith.constant 64 : i32
    %scan3A_105 = arith.addi %scan3A, %scan3A_104 : i32
    %scan3A_106 = arith.constant 1 : i32
    %scan3A_107:4 = scf.for %scan3A_174 = %scan3A to %scan3A_105 step %scan3A_106 iter_args(%scan3A_175 = %broadcast_in_dim3A_97, %scan3A_176 = %broadcast_in_dim3A_99, %scan3A_177 = %broadcast_in_dim3A_101, %scan3A_178 = %broadcast_in_dim3A_103) -> (vector<16xf32>, vector<16xf32>, vector<16xf32>, vector<16xf32>)  : i32 {
      %add3A_179 = vector.broadcast %scan3A_174 : i32 to vector<16xi32>
      %add3A_180 = arith.addi %iota3A, %add3A_179 : vector<16xi32>
      %and3A = arith.constant 63 : i32
      %and3A_181 = vector.broadcast %and3A : i32 to vector<16xi32>
      %and3A_182 = arith.andi %add3A_180, %and3A_181 : vector<16xi32>
      %add3A_183 = arith.constant 64 : i32
      %add3A_184 = vector.broadcast %add3A_183 : i32 to vector<16xi32>
      %add3A_185 = arith.addi %and3A_182, %add3A_184 : vector<16xi32>
      %gather3A = tpu.vector_load_idx %arg11[%add3A_87, %and3A_182] : memref<128x128xf32, #tpu.memory_space<vmem>>[vector<16xi32>, vector<16xi32>], vector<16xf32>,
      %gather3A_186 = tpu.vector_load_idx %arg11[%add3A_87, %add3A_185] : memref<128x128xf32, #tpu.memory_space<vmem>>[vector<16xi32>, vector<16xi32>], vector<16xf32>,
      %gather3A_187 = tpu.vector_load_idx %arg12[%add3A_87, %and3A_182] : memref<128x128xf32, #tpu.memory_space<vmem>>[vector<16xi32>, vector<16xi32>], vector<16xf32>,
      %gather3A_188 = tpu.vector_load_idx %arg12[%add3A_87, %add3A_185] : memref<128x128xf32, #tpu.memory_space<vmem>>[vector<16xi32>, vector<16xi32>], vector<16xf32>,
      %gather3A_189 = tpu.vector_load_idx %arg13[%add3A_87, %and3A_182] : memref<128x128xf32, #tpu.memory_space<vmem>>[vector<16xi32>, vector<16xi32>], vector<16xf32>,
      %gather3A_190 = tpu.vector_load_idx %arg13[%add3A_87, %add3A_185] : memref<128x128xf32, #tpu.memory_space<vmem>>[vector<16xi32>, vector<16xi32>], vector<16xf32>,
      %mul3A_191 = arith.mulf %gather3A, %gather3A_187 : vector<16xf32>
      %mul3A_192 = arith.mulf %gather3A_186, %gather3A_188 : vector<16xf32>
      %sub3A = arith.subf %mul3A_191, %mul3A_192 : vector<16xf32>
      %mul3A_193 = arith.mulf %sub3A, %gather3A_189 : vector<16xf32>
      %add3A_194 = arith.addf %scan3A_175, %mul3A_193 : vector<16xf32>
      %mul3A_195 = arith.mulf %gather3A, %gather3A_188 : vector<16xf32>
      %mul3A_196 = arith.mulf %gather3A_186, %gather3A_187 : vector<16xf32>
      %add3A_197 = arith.addf %mul3A_195, %mul3A_196 : vector<16xf32>
      %mul3A_198 = arith.mulf %add3A_197, %gather3A_190 : vector<16xf32>
      %add3A_199 = arith.addf %add3A_194, %mul3A_198 : vector<16xf32>
      %gather3A_200 = tpu.vector_load_idx %arg11[%add3A_90, %and3A_182] : memref<128x128xf32, #tpu.memory_space<vmem>>[vector<16xi32>, vector<16xi32>], vector<16xf32>,
      %gather3A_201 = tpu.vector_load_idx %arg11[%add3A_90, %add3A_185] : memref<128x128xf32, #tpu.memory_space<vmem>>[vector<16xi32>, vector<16xi32>], vector<16xf32>,
      %gather3A_202 = tpu.vector_load_idx %arg12[%add3A_90, %and3A_182] : memref<128x128xf32, #tpu.memory_space<vmem>>[vector<16xi32>, vector<16xi32>], vector<16xf32>,
      %gather3A_203 = tpu.vector_load_idx %arg12[%add3A_90, %add3A_185] : memref<128x128xf32, #tpu.memory_space<vmem>>[vector<16xi32>, vector<16xi32>], vector<16xf32>,
      %gather3A_204 = tpu.vector_load_idx %arg13[%add3A_90, %and3A_182] : memref<128x128xf32, #tpu.memory_space<vmem>>[vector<16xi32>, vector<16xi32>], vector<16xf32>,
      %gather3A_205 = tpu.vector_load_idx %arg13[%add3A_90, %add3A_185] : memref<128x128xf32, #tpu.memory_space<vmem>>[vector<16xi32>, vector<16xi32>], vector<16xf32>,
      %mul3A_206 = arith.mulf %gather3A_200, %gather3A_202 : vector<16xf32>
      %mul3A_207 = arith.mulf %gather3A_201, %gather3A_203 : vector<16xf32>
      %sub3A_208 = arith.subf %mul3A_206, %mul3A_207 : vector<16xf32>
      %mul3A_209 = arith.mulf %sub3A_208, %gather3A_204 : vector<16xf32>
      %add3A_210 = arith.addf %scan3A_176, %mul3A_209 : vector<16xf32>
      %mul3A_211 = arith.mulf %gather3A_200, %gather3A_203 : vector<16xf32>
      %mul3A_212 = arith.mulf %gather3A_201, %gather3A_202 : vector<16xf32>
      %add3A_213 = arith.addf %mul3A_211, %mul3A_212 : vector<16xf32>
      %mul3A_214 = arith.mulf %add3A_213, %gather3A_205 : vector<16xf32>
      %add3A_215 = arith.addf %add3A_210, %mul3A_214 : vector<16xf32>
      %gather3A_216 = tpu.vector_load_idx %arg11[%add3A_93, %and3A_182] : memref<128x128xf32, #tpu.memory_space<vmem>>[vector<16xi32>, vector<16xi32>], vector<16xf32>,
      %gather3A_217 = tpu.vector_load_idx %arg11[%add3A_93, %add3A_185] : memref<128x128xf32, #tpu.memory_space<vmem>>[vector<16xi32>, vector<16xi32>], vector<16xf32>,
      %gather3A_218 = tpu.vector_load_idx %arg12[%add3A_93, %and3A_182] : memref<128x128xf32, #tpu.memory_space<vmem>>[vector<16xi32>, vector<16xi32>], vector<16xf32>,
      %gather3A_219 = tpu.vector_load_idx %arg12[%add3A_93, %add3A_185] : memref<128x128xf32, #tpu.memory_space<vmem>>[vector<16xi32>, vector<16xi32>], vector<16xf32>,
      %gather3A_220 = tpu.vector_load_idx %arg13[%add3A_93, %and3A_182] : memref<128x128xf32, #tpu.memory_space<vmem>>[vector<16xi32>, vector<16xi32>], vector<16xf32>,
      %gather3A_221 = tpu.vector_load_idx %arg13[%add3A_93, %add3A_185] : memref<128x128xf32, #tpu.memory_space<vmem>>[vector<16xi32>, vector<16xi32>], vector<16xf32>,
      %mul3A_222 = arith.mulf %gather3A_216, %gather3A_218 : vector<16xf32>
      %mul3A_223 = arith.mulf %gather3A_217, %gather3A_219 : vector<16xf32>
      %sub3A_224 = arith.subf %mul3A_222, %mul3A_223 : vector<16xf32>
      %mul3A_225 = arith.mulf %sub3A_224, %gather3A_220 : vector<16xf32>
      %add3A_226 = arith.addf %scan3A_177, %mul3A_225 : vector<16xf32>
      %mul3A_227 = arith.mulf %gather3A_216, %gather3A_219 : vector<16xf32>
      %mul3A_228 = arith.mulf %gather3A_217, %gather3A_218 : vector<16xf32>
      %add3A_229 = arith.addf %mul3A_227, %mul3A_228 : vector<16xf32>
      %mul3A_230 = arith.mulf %add3A_229, %gather3A_221 : vector<16xf32>
      %add3A_231 = arith.addf %add3A_226, %mul3A_230 : vector<16xf32>
      %gather3A_232 = tpu.vector_load_idx %arg11[%add3A_96, %and3A_182] : memref<128x128xf32, #tpu.memory_space<vmem>>[vector<16xi32>, vector<16xi32>], vector<16xf32>,
      %gather3A_233 = tpu.vector_load_idx %arg11[%add3A_96, %add3A_185] : memref<128x128xf32, #tpu.memory_space<vmem>>[vector<16xi32>, vector<16xi32>], vector<16xf32>,
      %gather3A_234 = tpu.vector_load_idx %arg12[%add3A_96, %and3A_182] : memref<128x128xf32, #tpu.memory_space<vmem>>[vector<16xi32>, vector<16xi32>], vector<16xf32>,
      %gather3A_235 = tpu.vector_load_idx %arg12[%add3A_96, %add3A_185] : memref<128x128xf32, #tpu.memory_space<vmem>>[vector<16xi32>, vector<16xi32>], vector<16xf32>,
      %gather3A_236 = tpu.vector_load_idx %arg13[%add3A_96, %and3A_182] : memref<128x128xf32, #tpu.memory_space<vmem>>[vector<16xi32>, vector<16xi32>], vector<16xf32>,
      %gather3A_237 = tpu.vector_load_idx %arg13[%add3A_96, %add3A_185] : memref<128x128xf32, #tpu.memory_space<vmem>>[vector<16xi32>, vector<16xi32>], vector<16xf32>,
      %mul3A_238 = arith.mulf %gather3A_232, %gather3A_234 : vector<16xf32>
      %mul3A_239 = arith.mulf %gather3A_233, %gather3A_235 : vector<16xf32>
      %sub3A_240 = arith.subf %mul3A_238, %mul3A_239 : vector<16xf32>
      %mul3A_241 = arith.mulf %sub3A_240, %gather3A_236 : vector<16xf32>
      %add3A_242 = arith.addf %scan3A_178, %mul3A_241 : vector<16xf32>
      %mul3A_243 = arith.mulf %gather3A_232, %gather3A_235 : vector<16xf32>
      %mul3A_244 = arith.mulf %gather3A_233, %gather3A_234 : vector<16xf32>
      %add3A_245 = arith.addf %mul3A_243, %mul3A_244 : vector<16xf32>
      %mul3A_246 = arith.mulf %add3A_245, %gather3A_237 : vector<16xf32>
      %add3A_247 = arith.addf %add3A_242, %mul3A_246 : vector<16xf32>
      scf.yield %add3A_199, %add3A_215, %add3A_231, %add3A_247 : vector<16xf32>, vector<16xf32>, vector<16xf32>, vector<16xf32>
    }
    %scan3A_108 = arith.constant 64 : i32
    %swap3A = arith.constant 0 : index
    %swap3A_109 = tpu.vector_load %arg14[%swap3A] {strides = array<i32>} : memref<128xf32, #tpu.memory_space<vmem>>, vector<16xf32>,
    tpu.vector_store %arg14[%swap3A], %scan3A_107#0 {strides = array<i32>} : memref<128xf32, #tpu.memory_space<vmem>>, vector<16xf32>,
    %swap3A_110 = arith.constant 16 : index
    %swap3A_111 = tpu.vector_load %arg14[%swap3A_110] {strides = array<i32>} : memref<128xf32, #tpu.memory_space<vmem>>, vector<16xf32>,
    tpu.vector_store %arg14[%swap3A_110], %scan3A_107#1 {strides = array<i32>} : memref<128xf32, #tpu.memory_space<vmem>>, vector<16xf32>,
    %swap3A_112 = arith.constant 32 : index
    %swap3A_113 = tpu.vector_load %arg14[%swap3A_112] {strides = array<i32>} : memref<128xf32, #tpu.memory_space<vmem>>, vector<16xf32>,
    tpu.vector_store %arg14[%swap3A_112], %scan3A_107#2 {strides = array<i32>} : memref<128xf32, #tpu.memory_space<vmem>>, vector<16xf32>,
    %swap3A_114 = arith.constant 48 : index
    %swap3A_115 = tpu.vector_load %arg14[%swap3A_114] {strides = array<i32>} : memref<128xf32, #tpu.memory_space<vmem>>, vector<16xf32>,
    tpu.vector_store %arg14[%swap3A_114], %scan3A_107#3 {strides = array<i32>} : memref<128xf32, #tpu.memory_space<vmem>>, vector<16xf32>,
    %dma_wait3A_116 = arith.constant 64 : i32
    %dma_wait3A_117 = arith.constant 0 : i32
    %dma_wait3A_118 = tpu.memref_slice %arg11[%dma_wait3A_116, %dma_wait3A_117] : memref<128x128xf32, #tpu.memory_space<vmem>> -> memref<64x128xf32, #tpu.memory_space<vmem>>
    %dma_wait3A_119 = arith.constant 64 : i32
    %dma_wait3A_120 = tpu.memref_slice %arg8[%dma_wait3A_119] : memref<128xi32, #tpu.memory_space<vmem>> -> memref<64xi32, #tpu.memory_space<vmem>>
    %dma_wait3A_121 = arith.constant 0 : i32
    %dma_wait3A_122 = arith.constant 0 : i32
    %dma_wait3A_123 = tpu.memref_slice %arg5[%dma_wait3A_121, %dma_wait3A_122] : memref<100000x128xf32, #tpu.memory_space<hbm>> -> memref<100000x128xf32, #tpu.memory_space<hbm>>
    tpu.wait_indirect_dma semaphore(%arg19 : memref<!tpu.dma_semaphore, #tpu.memory_space<semaphore_mem>>) src(%dma_wait3A_123 : memref<100000x128xf32, #tpu.memory_space<hbm>>) dst(%dma_wait3A_118 : memref<64x128xf32, #tpu.memory_space<vmem>>)
    %dma_wait3A_124 = arith.constant 64 : i32
    %dma_wait3A_125 = arith.constant 0 : i32
    %dma_wait3A_126 = tpu.memref_slice %arg12[%dma_wait3A_124, %dma_wait3A_125] : memref<128x128xf32, #tpu.memory_space<vmem>> -> memref<64x128xf32, #tpu.memory_space<vmem>>
    %dma_wait3A_127 = arith.constant 64 : i32
    %dma_wait3A_128 = tpu.memref_slice %arg9[%dma_wait3A_127] : memref<128xi32, #tpu.memory_space<vmem>> -> memref<64xi32, #tpu.memory_space<vmem>>
    %dma_wait3A_129 = arith.constant 0 : i32
    %dma_wait3A_130 = arith.constant 0 : i32
    %dma_wait3A_131 = tpu.memref_slice %arg6[%dma_wait3A_129, %dma_wait3A_130] : memref<1000x128xf32, #tpu.memory_space<hbm>> -> memref<1000x128xf32, #tpu.memory_space<hbm>>
    tpu.wait_indirect_dma semaphore(%arg19 : memref<!tpu.dma_semaphore, #tpu.memory_space<semaphore_mem>>) src(%dma_wait3A_131 : memref<1000x128xf32, #tpu.memory_space<hbm>>) dst(%dma_wait3A_126 : memref<64x128xf32, #tpu.memory_space<vmem>>)
    %dma_wait3A_132 = arith.constant 64 : i32
    %dma_wait3A_133 = arith.constant 0 : i32
    %dma_wait3A_134 = tpu.memref_slice %arg13[%dma_wait3A_132, %dma_wait3A_133] : memref<128x128xf32, #tpu.memory_space<vmem>> -> memref<64x128xf32, #tpu.memory_space<vmem>>
    %dma_wait3A_135 = arith.constant 64 : i32
    %dma_wait3A_136 = tpu.memref_slice %arg10[%dma_wait3A_135] : memref<128xi32, #tpu.memory_space<vmem>> -> memref<64xi32, #tpu.memory_space<vmem>>
    %dma_wait3A_137 = arith.constant 0 : i32
    %dma_wait3A_138 = arith.constant 0 : i32
    %dma_wait3A_139 = tpu.memref_slice %arg5[%dma_wait3A_137, %dma_wait3A_138] : memref<100000x128xf32, #tpu.memory_space<hbm>> -> memref<100000x128xf32, #tpu.memory_space<hbm>>
    tpu.wait_indirect_dma semaphore(%arg19 : memref<!tpu.dma_semaphore, #tpu.memory_space<semaphore_mem>>) src(%dma_wait3A_139 : memref<100000x128xf32, #tpu.memory_space<hbm>>) dst(%dma_wait3A_134 : memref<64x128xf32, #tpu.memory_space<vmem>>)
    %add3A_140 = arith.constant 64 : i32
    %add3A_141 = vector.broadcast %add3A_140 : i32 to vector<16xi32>
    %add3A_142 = arith.addi %add3A_141, %iota3A : vector<16xi32>
    %add3A_143 = arith.constant 80 : i32
    %add3A_144 = vector.broadcast %add3A_143 : i32 to vector<16xi32>
    %add3A_145 = arith.addi %add3A_144, %iota3A : vector<16xi32>
    %add3A_146 = arith.constant 96 : i32
    %add3A_147 = vector.broadcast %add3A_146 : i32 to vector<16xi32>
    %add3A_148 = arith.addi %add3A_147, %iota3A : vector<16xi32>
    %add3A_149 = arith.constant 112 : i32
    %add3A_150 = vector.broadcast %add3A_149 : i32 to vector<16xi32>
    %add3A_151 = arith.addi %add3A_150, %iota3A : vector<16xi32>
    %broadcast_in_dim3A_152 = arith.constant 0.000000e+00 : f32
    %broadcast_in_dim3A_153 = vector.broadcast %broadcast_in_dim3A_152 : f32 to vector<16xf32>
    %broadcast_in_dim3A_154 = arith.constant 0.000000e+00 : f32
    %broadcast_in_dim3A_155 = vector.broadcast %broadcast_in_dim3A_154 : f32 to vector<16xf32>
    %broadcast_in_dim3A_156 = arith.constant 0.000000e+00 : f32
    %broadcast_in_dim3A_157 = vector.broadcast %broadcast_in_dim3A_156 : f32 to vector<16xf32>
    %broadcast_in_dim3A_158 = arith.constant 0.000000e+00 : f32
    %broadcast_in_dim3A_159 = vector.broadcast %broadcast_in_dim3A_158 : f32 to vector<16xf32>
    %scan3A_160 = arith.constant 0 : i32
    %scan3A_161 = arith.constant 64 : i32
    %scan3A_162 = arith.addi %scan3A_160, %scan3A_161 : i32
    %scan3A_163 = arith.constant 1 : i32
    %scan3A_164:4 = scf.for %scan3A_174 = %scan3A_160 to %scan3A_162 step %scan3A_163 iter_args(%scan3A_175 = %broadcast_in_dim3A_153, %scan3A_176 = %broadcast_in_dim3A_155, %scan3A_177 = %broadcast_in_dim3A_157, %scan3A_178 = %broadcast_in_dim3A_159) -> (vector<16xf32>, vector<16xf32>, vector<16xf32>, vector<16xf32>)  : i32 {
      %add3A_179 = vector.broadcast %scan3A_174 : i32 to vector<16xi32>
      %add3A_180 = arith.addi %iota3A, %add3A_179 : vector<16xi32>
      %and3A = arith.constant 63 : i32
      %and3A_181 = vector.broadcast %and3A : i32 to vector<16xi32>
      %and3A_182 = arith.andi %add3A_180, %and3A_181 : vector<16xi32>
      %add3A_183 = arith.constant 64 : i32
      %add3A_184 = vector.broadcast %add3A_183 : i32 to vector<16xi32>
      %add3A_185 = arith.addi %and3A_182, %add3A_184 : vector<16xi32>
      %gather3A = tpu.vector_load_idx %arg11[%add3A_142, %and3A_182] : memref<128x128xf32, #tpu.memory_space<vmem>>[vector<16xi32>, vector<16xi32>], vector<16xf32>,
      %gather3A_186 = tpu.vector_load_idx %arg11[%add3A_142, %add3A_185] : memref<128x128xf32, #tpu.memory_space<vmem>>[vector<16xi32>, vector<16xi32>], vector<16xf32>,
      %gather3A_187 = tpu.vector_load_idx %arg12[%add3A_142, %and3A_182] : memref<128x128xf32, #tpu.memory_space<vmem>>[vector<16xi32>, vector<16xi32>], vector<16xf32>,
      %gather3A_188 = tpu.vector_load_idx %arg12[%add3A_142, %add3A_185] : memref<128x128xf32, #tpu.memory_space<vmem>>[vector<16xi32>, vector<16xi32>], vector<16xf32>,
      %gather3A_189 = tpu.vector_load_idx %arg13[%add3A_142, %and3A_182] : memref<128x128xf32, #tpu.memory_space<vmem>>[vector<16xi32>, vector<16xi32>], vector<16xf32>,
      %gather3A_190 = tpu.vector_load_idx %arg13[%add3A_142, %add3A_185] : memref<128x128xf32, #tpu.memory_space<vmem>>[vector<16xi32>, vector<16xi32>], vector<16xf32>,
      %mul3A_191 = arith.mulf %gather3A, %gather3A_187 : vector<16xf32>
      %mul3A_192 = arith.mulf %gather3A_186, %gather3A_188 : vector<16xf32>
      %sub3A = arith.subf %mul3A_191, %mul3A_192 : vector<16xf32>
      %mul3A_193 = arith.mulf %sub3A, %gather3A_189 : vector<16xf32>
      %add3A_194 = arith.addf %scan3A_175, %mul3A_193 : vector<16xf32>
      %mul3A_195 = arith.mulf %gather3A, %gather3A_188 : vector<16xf32>
      %mul3A_196 = arith.mulf %gather3A_186, %gather3A_187 : vector<16xf32>
      %add3A_197 = arith.addf %mul3A_195, %mul3A_196 : vector<16xf32>
      %mul3A_198 = arith.mulf %add3A_197, %gather3A_190 : vector<16xf32>
      %add3A_199 = arith.addf %add3A_194, %mul3A_198 : vector<16xf32>
      %gather3A_200 = tpu.vector_load_idx %arg11[%add3A_145, %and3A_182] : memref<128x128xf32, #tpu.memory_space<vmem>>[vector<16xi32>, vector<16xi32>], vector<16xf32>,
      %gather3A_201 = tpu.vector_load_idx %arg11[%add3A_145, %add3A_185] : memref<128x128xf32, #tpu.memory_space<vmem>>[vector<16xi32>, vector<16xi32>], vector<16xf32>,
      %gather3A_202 = tpu.vector_load_idx %arg12[%add3A_145, %and3A_182] : memref<128x128xf32, #tpu.memory_space<vmem>>[vector<16xi32>, vector<16xi32>], vector<16xf32>,
      %gather3A_203 = tpu.vector_load_idx %arg12[%add3A_145, %add3A_185] : memref<128x128xf32, #tpu.memory_space<vmem>>[vector<16xi32>, vector<16xi32>], vector<16xf32>,
      %gather3A_204 = tpu.vector_load_idx %arg13[%add3A_145, %and3A_182] : memref<128x128xf32, #tpu.memory_space<vmem>>[vector<16xi32>, vector<16xi32>], vector<16xf32>,
      %gather3A_205 = tpu.vector_load_idx %arg13[%add3A_145, %add3A_185] : memref<128x128xf32, #tpu.memory_space<vmem>>[vector<16xi32>, vector<16xi32>], vector<16xf32>,
      %mul3A_206 = arith.mulf %gather3A_200, %gather3A_202 : vector<16xf32>
      %mul3A_207 = arith.mulf %gather3A_201, %gather3A_203 : vector<16xf32>
      %sub3A_208 = arith.subf %mul3A_206, %mul3A_207 : vector<16xf32>
      %mul3A_209 = arith.mulf %sub3A_208, %gather3A_204 : vector<16xf32>
      %add3A_210 = arith.addf %scan3A_176, %mul3A_209 : vector<16xf32>
      %mul3A_211 = arith.mulf %gather3A_200, %gather3A_203 : vector<16xf32>
      %mul3A_212 = arith.mulf %gather3A_201, %gather3A_202 : vector<16xf32>
      %add3A_213 = arith.addf %mul3A_211, %mul3A_212 : vector<16xf32>
      %mul3A_214 = arith.mulf %add3A_213, %gather3A_205 : vector<16xf32>
      %add3A_215 = arith.addf %add3A_210, %mul3A_214 : vector<16xf32>
      %gather3A_216 = tpu.vector_load_idx %arg11[%add3A_148, %and3A_182] : memref<128x128xf32, #tpu.memory_space<vmem>>[vector<16xi32>, vector<16xi32>], vector<16xf32>,
      %gather3A_217 = tpu.vector_load_idx %arg11[%add3A_148, %add3A_185] : memref<128x128xf32, #tpu.memory_space<vmem>>[vector<16xi32>, vector<16xi32>], vector<16xf32>,
      %gather3A_218 = tpu.vector_load_idx %arg12[%add3A_148, %and3A_182] : memref<128x128xf32, #tpu.memory_space<vmem>>[vector<16xi32>, vector<16xi32>], vector<16xf32>,
      %gather3A_219 = tpu.vector_load_idx %arg12[%add3A_148, %add3A_185] : memref<128x128xf32, #tpu.memory_space<vmem>>[vector<16xi32>, vector<16xi32>], vector<16xf32>,
      %gather3A_220 = tpu.vector_load_idx %arg13[%add3A_148, %and3A_182] : memref<128x128xf32, #tpu.memory_space<vmem>>[vector<16xi32>, vector<16xi32>], vector<16xf32>,
      %gather3A_221 = tpu.vector_load_idx %arg13[%add3A_148, %add3A_185] : memref<128x128xf32, #tpu.memory_space<vmem>>[vector<16xi32>, vector<16xi32>], vector<16xf32>,
      %mul3A_222 = arith.mulf %gather3A_216, %gather3A_218 : vector<16xf32>
      %mul3A_223 = arith.mulf %gather3A_217, %gather3A_219 : vector<16xf32>
      %sub3A_224 = arith.subf %mul3A_222, %mul3A_223 : vector<16xf32>
      %mul3A_225 = arith.mulf %sub3A_224, %gather3A_220 : vector<16xf32>
      %add3A_226 = arith.addf %scan3A_177, %mul3A_225 : vector<16xf32>
      %mul3A_227 = arith.mulf %gather3A_216, %gather3A_219 : vector<16xf32>
      %mul3A_228 = arith.mulf %gather3A_217, %gather3A_218 : vector<16xf32>
      %add3A_229 = arith.addf %mul3A_227, %mul3A_228 : vector<16xf32>
      %mul3A_230 = arith.mulf %add3A_229, %gather3A_221 : vector<16xf32>
      %add3A_231 = arith.addf %add3A_226, %mul3A_230 : vector<16xf32>
      %gather3A_232 = tpu.vector_load_idx %arg11[%add3A_151, %and3A_182] : memref<128x128xf32, #tpu.memory_space<vmem>>[vector<16xi32>, vector<16xi32>], vector<16xf32>,
      %gather3A_233 = tpu.vector_load_idx %arg11[%add3A_151, %add3A_185] : memref<128x128xf32, #tpu.memory_space<vmem>>[vector<16xi32>, vector<16xi32>], vector<16xf32>,
      %gather3A_234 = tpu.vector_load_idx %arg12[%add3A_151, %and3A_182] : memref<128x128xf32, #tpu.memory_space<vmem>>[vector<16xi32>, vector<16xi32>], vector<16xf32>,
      %gather3A_235 = tpu.vector_load_idx %arg12[%add3A_151, %add3A_185] : memref<128x128xf32, #tpu.memory_space<vmem>>[vector<16xi32>, vector<16xi32>], vector<16xf32>,
      %gather3A_236 = tpu.vector_load_idx %arg13[%add3A_151, %and3A_182] : memref<128x128xf32, #tpu.memory_space<vmem>>[vector<16xi32>, vector<16xi32>], vector<16xf32>,
      %gather3A_237 = tpu.vector_load_idx %arg13[%add3A_151, %add3A_185] : memref<128x128xf32, #tpu.memory_space<vmem>>[vector<16xi32>, vector<16xi32>], vector<16xf32>,
      %mul3A_238 = arith.mulf %gather3A_232, %gather3A_234 : vector<16xf32>
      %mul3A_239 = arith.mulf %gather3A_233, %gather3A_235 : vector<16xf32>
      %sub3A_240 = arith.subf %mul3A_238, %mul3A_239 : vector<16xf32>
      %mul3A_241 = arith.mulf %sub3A_240, %gather3A_236 : vector<16xf32>
      %add3A_242 = arith.addf %scan3A_178, %mul3A_241 : vector<16xf32>
      %mul3A_243 = arith.mulf %gather3A_232, %gather3A_235 : vector<16xf32>
      %mul3A_244 = arith.mulf %gather3A_233, %gather3A_234 : vector<16xf32>
      %add3A_245 = arith.addf %mul3A_243, %mul3A_244 : vector<16xf32>
      %mul3A_246 = arith.mulf %add3A_245, %gather3A_237 : vector<16xf32>
      %add3A_247 = arith.addf %add3A_242, %mul3A_246 : vector<16xf32>
      scf.yield %add3A_199, %add3A_215, %add3A_231, %add3A_247 : vector<16xf32>, vector<16xf32>, vector<16xf32>, vector<16xf32>
    }
    %scan3A_165 = arith.constant 64 : i32
    %swap3A_166 = arith.constant 64 : index
    %swap3A_167 = tpu.vector_load %arg14[%swap3A_166] {strides = array<i32>} : memref<128xf32, #tpu.memory_space<vmem>>, vector<16xf32>,
    tpu.vector_store %arg14[%swap3A_166], %scan3A_164#0 {strides = array<i32>} : memref<128xf32, #tpu.memory_space<vmem>>, vector<16xf32>,
    %swap3A_168 = arith.constant 80 : index
    %swap3A_169 = tpu.vector_load %arg14[%swap3A_168] {strides = array<i32>} : memref<128xf32, #tpu.memory_space<vmem>>, vector<16xf32>,
    tpu.vector_store %arg14[%swap3A_168], %scan3A_164#1 {strides = array<i32>} : memref<128xf32, #tpu.memory_space<vmem>>, vector<16xf32>,
    %swap3A_170 = arith.constant 96 : index
    %swap3A_171 = tpu.vector_load %arg14[%swap3A_170] {strides = array<i32>} : memref<128xf32, #tpu.memory_space<vmem>>, vector<16xf32>,
    tpu.vector_store %arg14[%swap3A_170], %scan3A_164#2 {strides = array<i32>} : memref<128xf32, #tpu.memory_space<vmem>>, vector<16xf32>,
    %swap3A_172 = arith.constant 112 : index
    %swap3A_173 = tpu.vector_load %arg14[%swap3A_172] {strides = array<i32>} : memref<128xf32, #tpu.memory_space<vmem>>, vector<16xf32>,
    tpu.vector_store %arg14[%swap3A_172], %scan3A_164#3 {strides = array<i32>} : memref<128xf32, #tpu.memory_space<vmem>>, vector<16xf32>,
    "tpu.region"() ({
      %run_scoped3A = tpu.sem_alloc : memref<!tpu.dma_semaphore, #tpu.memory_space<semaphore_mem>>
      %dma_start3A_174 = tpu.memref_slice %arg7[%mul3A_2] : memref<4096xf32, #tpu.memory_space<hbm>> -> memref<128xf32, #tpu.memory_space<hbm>>
      %dma_start3A_175 = tpu.memref_slice %arg7[%mul3A_2] : memref<4096xf32, #tpu.memory_space<hbm>> -> memref<128xf32, #tpu.memory_space<hbm>>
      tpu.enqueue_dma source(%arg14 : memref<128xf32, #tpu.memory_space<vmem>>) target(%dma_start3A_175 : memref<128xf32, #tpu.memory_space<hbm>>) target_semaphore(%run_scoped3A : memref<!tpu.dma_semaphore, #tpu.memory_space<semaphore_mem>>)
      %dma_wait3A_176 = tpu.memref_slice %arg7[%mul3A_2] : memref<4096xf32, #tpu.memory_space<hbm>> -> memref<128xf32, #tpu.memory_space<hbm>>
      %dma_wait3A_177 = tpu.memref_slice %arg7[%mul3A_2] : memref<4096xf32, #tpu.memory_space<hbm>> -> memref<128xf32, #tpu.memory_space<hbm>>
      tpu.wait_dma2 semaphore(%run_scoped3A : memref<!tpu.dma_semaphore, #tpu.memory_space<semaphore_mem>>) src(%arg14 : memref<128xf32, #tpu.memory_space<vmem>>) dst(%dma_wait3A_177 : memref<128xf32, #tpu.memory_space<hbm>>)
      tpu.yield
    }) : () -> ()
    return
  }
}

</mosaic_0001>

<sc_bundles>
// kernel: kernel.3.cloned.1.call-start
scs
__scs_entry_jumppad:
0x0: {  	(pc) =	sbr.rel $0x88, $3  }
0x1: {  	(tag) =	ssettag $0x0;
	lr =	simm.s32 $0x1  }
0x2: {  	[smem:$0x3F9E] =	sst lr;
	_ =	strace $0xD0000000  }
0x3: {  	_ = 	snop  }
0x4: {  	_ = 	snop  }
0x5: {  	_ = 	snop  }
0x6: {  	_ = 	snop  }
0x7: {  	_ = 	snop  }
__scs_overlays_trampoline_lowered:
0x8: {  	[smem:$0x3FAD] =	sst s0  }
0x9: {  	[smem:$0x3FAE] =	sst s1  }
0xa: {  	[smem:$0x3FAF] =	sst s2  }
0xb: {  	[smem:$0x3FB0] =	sst s3  }
0xc: {  	[smem:$0x3FB1] =	sst s4  }
0xd: {  	[smem:$0x3FB2] =	sst s5  }
0xe: {  	[smem:$0x3FB3] =	sst s6  }
0xf: {  	[smem:$0x3FB4] =	sst s7  }
0x10: {  	[smem:$0x3FB5] =	sst s8  }
0x11: {  	[smem:$0x3FB6] =	sst s9;
	s0 =	simm.s32 @!p0 $0x0  }
0x12: {  	s1 =	sld [smem:$0x3F9C];
	s0 =	simm.s32 @p0 $0x1  }
0x13: {  	[smem:$0x3FB7] =	sst s0;
	s0 =	simm.s32 @!p1 $0x0  }
0x14: {  	s2 =	sld [smem:$0x3F9B];
	s0 =	simm.s32 @p1 $0x1  }
0x15: {  	[smem:$0x3FB8] =	sst s0;
	s0 =	simm.s32 @!p2 $0x0  }
0x16: {  	s3 =	sld [smem:$0x3FDB];
	s0 =	simm.s32 @p2 $0x1  }
0x17: {  	s4 =	simm.s32 $0x1BF5;
	[smem:$0x3FBA] =	sst s0  }
0x18: {  	s0 =	sld [smem:$0x3F9D];
	_ =	swait.ge [sflag:s4], $0x0  }
0x19: {  	s7 =	sld [smem:$0x3F9E]  }
0x1a: {  	s8 =	sadd.s32 $0xFFFFE003, lr  }
0x1b: {  	s9 =	sadd.s32 $0xFFFFFEF7, lr;
	s5 =	simm.s32 $0xFFFFFFFF;
	p2 =	slt.u32 s8, $0xFFFFF086  }
0x1c: {  	p1 =	slt.u32 s9, $0xF7A;
	s5 =	simm.s32 @!p2 $0x0  }
0x1d: {  	s5 =	simm.s32 @p1 $0x1;
	p0 =	seq.s32 s7, s2  }
0x1e: {  	s7 =	smul.u32 @!p0 $0xF7A, s2;
	p2 =	seq.s32 @!p0 s5, $0x0  }
0x1f: {  	s9 =	smul.u32 $0xF7A, s1;
	s8 =	simm.s32 @!p0 $0x1BF5;
	p2 =	por !p2, p0  }
0x20: {  	[sflag:s8] =	ssyncset.s32 @!p0 $0xFFFFF086;
	s6 =	sadd.s32 @!p0 s3, s7;
	s7 =	simm.s32 @!p0 $0x108  }
0x21: {  	s3 =	sadd.s32 s3, s9;
	s6 =	sadd.s32 @!p0 $0x88, s6;
	s7 =	simm.s32 @p2 $0x1082  }
0x22: {  	[simem:s7], [sflag:s8] =	dma.local @!p0 [hbm:s6], $0xF7A  }
0x23: {  	s9 =	sor.u32 $0xD0000000, s2;
	s6 =	simm.s32 $0x108;
	_ =	swait.ge @!p0 [sflag:s8], $0x0  }
0x24: {  	s3 =	sadd.s32 $0x88, s3;
	s6 =	simm.s32 @!p1 $0x1082;
	[sflag:s4] =	ssyncset.s32 $0xFFFFF086  }
0x25: {  	[simem:s6], [sflag:s4] =	dma.local [hbm:s3], $0xF7A  }
0x26: {  	[smem:$0x3F9E] =	sst s1;
	(tag) =	ssettag s2;
	_ =	strace s9  }
0x27: {  	s1 =	sld [smem:$0x3FAE]  }
0x28: {  	s2 =	sld [smem:$0x3FAF]  }
0x29: {  	s4 =	sld [smem:$0x3FB1]  }
0x2a: {  	p0 =	seq.s32 s5, $0x0;
	s5 =	sld [smem:$0x3FB2]  }
0x2b: {  	s6 =	sld [smem:$0x3FB3]  }
0x2c: {  	s7 =	sld [smem:$0x3FB4]  }
0x2d: {  	s3 =	simm.s32 $0x108;
	s8 =	sld [smem:$0x3FB5]  }
0x2e: {  	s3 =	simm.s32 @!p0 $0x1082;
	s9 =	sld [smem:$0x3FB6]  }
0x2f: {  	lr =	sadd.s32 s0, s3;
	s0 =	sld [smem:$0x3FAD]  }
0x30: {  	s3 =	sld [smem:$0x3FB0]  }
0x31: {  	[smem:$0x3FB9] =	sst s10  }
0x32: {  	s10 =	sld [smem:$0x3FB7];
	_ =	sdelay $0x3  }
0x33: {  	p0 =	seq.s32 s10, $0x1;
	s10 =	sld [smem:$0x3FB9];
	_ =	sdelay $0x3  }
0x34: {  	[smem:$0x3FB9] =	sst s10  }
0x35: {  	s10 =	sld [smem:$0x3FB8];
	_ =	sdelay $0x3  }
0x36: {  	p1 =	seq.s32 s10, $0x1;
	s10 =	sld [smem:$0x3FB9];
	_ =	sdelay $0x3  }
0x37: {  	[smem:$0x3FB9] =	sst s10  }
0x38: {  	s10 =	sld [smem:$0x3FBA]  }
0x39: {  	_ = 	snop;
	(pc) =	sbr.ind lr, $3  }
0x3a: {  	_ = 	snop  }
0x3b: {  	_ = 	snop  }
0x3c: {  	p2 =	seq.s32 s10, $0x1;
	s10 =	sld [smem:$0x3FB9]  }
0x3d: {  	_ =	shalt  }
0x3e: {  	_ =	shalt  }
0x3f: {  	_ =	shalt  }
0x40: {  	_ =	shalt  }
0x41: {  	_ =	shalt  }
0x42: {  	_ =	shalt  }
0x43: {  	_ =	shalt  }
0x44: {  	_ =	shalt  }
0x45: {  	_ =	shalt  }
0x46: {  	_ =	shalt  }
0x47: {  	_ =	shalt  }
0x48: {  	_ =	shalt  }
0x49: {  	_ =	shalt  }
0x4a: {  	_ =	shalt  }
0x4b: {  	_ =	shalt  }
0x4c: {  	_ =	shalt  }
0x4d: {  	_ =	shalt  }
0x4e: {  	_ =	shalt  }
0x4f: {  	_ =	shalt  }
0x50: {  	_ =	shalt  }
0x51: {  	_ =	shalt  }
0x52: {  	_ =	shalt  }
0x53: {  	_ =	shalt  }
0x54: {  	_ =	shalt  }
0x55: {  	_ =	shalt  }
0x56: {  	_ =	shalt  }
0x57: {  	_ =	shalt  }
0x58: {  	_ =	shalt  }
0x59: {  	_ =	shalt  }
0x5a: {  	_ =	shalt  }
0x5b: {  	_ =	shalt  }
0x5c: {  	_ =	shalt  }
0x5d: {  	_ =	shalt  }
0x5e: {  	_ =	shalt  }
0x5f: {  	_ =	shalt  }
0x60: {  	_ =	shalt  }
0x61: {  	_ =	shalt  }
0x62: {  	_ =	shalt  }
0x63: {  	_ =	shalt  }
0x64: {  	_ =	shalt  }
0x65: {  	_ =	shalt  }
0x66: {  	_ =	shalt  }
0x67: {  	_ =	shalt  }
0x68: {  	_ =	shalt  }
0x69: {  	_ =	shalt  }
0x6a: {  	_ =	shalt  }
0x6b: {  	_ =	shalt  }
0x6c: {  	_ =	shalt  }
0x6d: {  	_ =	shalt  }
0x6e: {  	_ =	shalt  }
0x6f: {  	_ =	shalt  }
0x70: {  	_ =	shalt  }
0x71: {  	_ =	shalt  }
0x72: {  	_ =	shalt  }
0x73: {  	_ =	shalt  }
0x74: {  	_ =	shalt  }
0x75: {  	_ =	shalt  }
0x76: {  	_ =	shalt  }
0x77: {  	_ =	shalt  }
0x78: {  	_ =	shalt  }
0x79: {  	_ =	shalt  }
0x7a: {  	_ =	shalt  }
0x7b: {  	_ =	shalt  }
0x7c: {  	_ =	shalt  }
0x7d: {  	_ =	shalt  }
0x7e: {  	_ =	shalt  }
0x7f: {  	_ =	shalt  }
0x80: {  	_ =	shalt  }
0x81: {  	_ =	shalt  }
0x82: {  	_ =	shalt  }
0x83: {  	_ =	shalt  }
0x84: {  	_ =	shalt  }
0x85: {  	_ =	shalt  }
0x86: {  	_ =	shalt  }
0x87: {  	_ =	shalt  }
.Lfunc_end0:
.L_simem_size_0:
called_computation_lowered:
.L_overlay_start_0:
0x88: {  	s2 =	sld [smem:$0x3FD9]  }
0x89: {  	s3 =	sld [smem:$0x3FFE];
	_ =	sdelay $0x1  }
0x8a: {  	s1 =	srdreg.scid  }
0x8b: {  	s0 =	sand.u32 $0x1, s1  }
0x8c: {  	s17 =	sshll.u32 s0, $0xA;
	s2 =	sadd.s32 s3, s2  }
0x8d: {  	s2 =	sadd.s32 s2, s17  }
0x8e: {  	[smem:$0x3FC5] =	sst s2  }
0x8f: {  	_ = 	snop  }
0x90: {  	s2 =	sld [smem:$0x3FC8]  }
0x91: {  	s18 =	sld [smem:$0x3FC7]  }
0x92: {  	s4 =	sld [smem:$0x3FD0];
	(tm) =	ssettm $0x1  }
0x93: {  	s5 =	sld [smem:$0x3FFB];
	_ =	sdelay $0x3  }
0x94: {  	_ =	strace s5  }
0x95: {  	s5 =	sld [smem:$0x3FFC];
	_ =	sdelay $0x3  }
0x96: {  	_ =	strace s5  }
0x97: {  	s5 =	sld [smem:$0x3FFD];
	_ =	sdelay $0x3  }
0x98: {  	_ =	strace s5  }
0x99: {  	_ =	strace $0x8FFFFFFF  }
0x9a: {  	s19 =	sld [smem:$0x3FDB];
	_ =	sdelay $0x1  }
0x9b: {  	s6 =	simm.s32 $_scs_section_size  }
0x9c: {  	s7 =	simm.s32 $_size__tile_overlayer_lowered;
	s8 =	simm.s32 $_tile_overlayer_lowered  }
0x9d: {  	s22 =	simm.s32 $0x1BFF;
	s21 =	sshll.u32 s8, $0x1;
	s5 =	sadd.s32 s6, s19  }
0x9e: {  	s9 =	simm.s32 $0x0;
	s20 =	sshll.u32 s7, $0x1;
	s7 =	sadd.s32 s21, s5  }
0x9f: {  	[timem:s9], [sflag:s22] =	dma.local [hbm:s7], s20  }
0xa0: {  	_ =	swait.ge [sflag:s22], s20  }
0xa1: {  	s6 =	ssub.s32 $0x0, s20;
	[sflag:s22] =	ssyncset.done $0x0  }
0xa2: {  	[sflag:s22] =	ssyncadd.s32 s6;
	_ =	sdelay $0x1  }
0xa3: {  	s23 =	simm.s32 $0x1B8B  }
0xa4: {  	_ =	swait.ge [sflag:s23], $0x1  }
0xa5: {  	[sflag:s23] =	ssyncset.done $0x0  }
0xa6: {  	s25 =	simm.s32 $0x1B8E;
	s24 =	sld [smem:$0x3FFE];
	[sflag:s23] =	ssyncadd.s32 $0xFFFFFFFF  }
0xa7: {  	s26 =	simm.s32 $execute0_lowered;
	[smem:$0x3FD2] =	sst s25  }
0xa8: {  	s7 =	sshll.u32 s26, $0x1;
	_ =	strace $0x80000046;
	[dreg:$0x1] =	wrdreg $0xFFFFFFFF  }
0xa9: {  	s28 =	simm.s32 $_size_execute0_lowered;
	s5 =	sadd.s32 s5, s7;
	[dreg:$0x0] =	wrdreg $0x0  }
0xaa: {  	s7 =	sshll.u32 s28, $0x1;
	[dreg:$0x2] =	wrdreg s5  }
0xab: {  	[dreg:$0x3] =	wrdreg s7  }
0xac: {  	[dreg:$0x4] =	wrdreg $0xC0  }
0xad: {  	_ =	task [dreg:s9], $0x5FFFF  }
0xae: {  	[dreg:$0x1] =	wrdreg $0xFFFFFFFF  }
0xaf: {  	[dreg:$0x0] =	wrdreg $0x60  }
0xb0: {  	[dreg:$0x2] =	wrdreg s24  }
0xb1: {  	[dreg:$0x3] =	wrdreg s2  }
0xb2: {  	[dreg:$0x4] =	wrdreg s18  }
0xb3: {  	[dreg:$0x5] =	wrdreg s4  }
0xb4: {  	[dreg:$0x6] =	wrdreg $0x9  }
0xb5: {  	_ =	task.clear_ibuf [dreg:s9], $0x7FFFF;
	_ =	strace $0x90000046  }
0xb6: {  	s29 =	simm.s32 $0x9;
	_ =	strace $0x80000048  }
0xb7: {  	_ =	swait.ge [sflag:s29], $0x1  }
0xb8: {  	[sflag:s29] =	ssyncadd.s32 $0xFFFFFFFF  }
0xb9: {  	_ =	strace $0x90000048  }
0xba: {  	_ =	sfence  }
0xbb: {  	s30 =	sld [smem:$0x0];
	_ =	sdelay $0x2  }
0xbc: {  	s31 =	sshll.u32 s1, $0xD;
	s1 =	sshrl.u32 s1, $0x2  }
0xbd: {  	s3 =	sand.u32 $0x4000, s31;
	s1 =	sadd.s32 s1, s30  }
0xbe: {  	s0 =	sor.u32 s3, s0;
	s1 =	sshll.u32 s1, $0x11  }
0xbf: {  	s0 =	sor.u32 s1, s0  }
0xc0: {  	s0 =	sadd.s32 $0x8F2B, s0  }
0xc1: {  	[sflag:s0] =	ssyncadd.remote.s32 $0x1  }
0xc2: {  	_ =	sfence.sel $0xFFFF  }
0xc3: {  	[dreg:$0x0] =	wrdreg $0xFFFFFFFF;
	(pc) =	sbr.abs _section_cstart, $3  }
0xc4: {  	[dreg:$0x1] =	wrdreg $0xFFFFFFFF  }
0xc5: {  	_ =	task.clear_ibuf [dreg:s9], $0x2FFFF;
	_ =	strace $0x9FFFFFFF  }
0xc6: {  	(tm) =	ssettm $0x7FFFFFFF  }
0xc7: {  	_ =	shalt  }
tec
execute0_lowered:
.L_overlay_start_1:
0x0: {  	(tag) =	ssettag $0x1  }
0x1: {  	s5 =	rddreg [dreg:$0x0]  }
0x2: {  	s1 =	rddreg [dreg:$0x1]  }
0x3: {  	s2 =	rddreg [dreg:$0x2]  }
0x4: {  	s8 =	rddreg [dreg:$0x3]  }
0x5: {  	s0 =	rddreg [dreg:$0x4];
	s6 =	srdreg.scid  }
0x6: {  	s4 =	simm.s32 $0x0;
	s3 =	stileid.u32;
	s12 =	simm.s32 $0x1  }
0x7: {  	s13 =	simm.s32 $0x40;
	s14 =	simm.s32 $0x180;
	s15 =	simm.s32 $0x2180  }
0x8: {  	s16 =	simm.s32 $0x2;
	s17 =	simm.s32 $0x4180;
	s18 =	simm.s32 $0xC0  }
0x9: {  	s19 =	simm.s32 $0x6180;
	s20 =	simm.s32 $0x3;
	s21 =	simm.s32 $0x8180  }
0xa: {  	v0 =	vlaneseq.u32;
	s22 =	simm.s32 $0x140;
	s23 =	simm.s32 $0xA180;
	s24 =	simm.s32 $0x4  }
0xb: {  	s25 =	simm.s32 $0x5;
	s26 =	simm.s32 $0xC180;
	s28 =	simm.s32 $0x6;
	v1 =	vmul.u32 $0x80, v0  }
0xc: {  	s29 =	simm.s32 $0x0;
	s6 =	sand.u32 $0x1, s6;
	s7 =	sshll.u32 s3, $0x5  }
0xd: {  	[smem:$0x7FF] =	sst s4;
	s9 =	sshll.u32 s6, $0x4;
	s6 =	ssub.s32 $0x2, s6;
	v2 =	vor.u32 $0x40, v1;
	v3 =	vor.u32 $0x800, v1;
	v4 =	vor.u32 $0x840, v1  }
0xe: {  	_ =	strace $0x80000047;
	s9 =	sor.u32 s9, s7;
	s31 =	sshrl.u32 s6, $0x1;
	v5 =	vor.u32 $0x1000, v1;
	v6 =	vor.u32 $0x1040, v1;
	v7 =	vor.u32 $0x1800, v1  }
0xf: {  	v8 =	vor.u32 $0x1840, v1;
	v9 =	vor.u32 $0x2000, v1;
	v10 =	vor.u32 $0x2040, v1;
	s10 =	sadd.s32 s9, s5;
	s11 =	ssub.s32 s6, s31;
	s8 =	sadd.s32 s8, s9  }
0x10: {  	v11 =	vor.u32 $0x2800, v1;
	v12 =	vor.u32 $0x2840, v1;
	v13 =	vor.u32 $0x3000, v1;
	s5 =	sadd.s32 $0xA00, s10;
	s6 =	sadd.s32 $0x800, s10;
	s7 =	sadd.s32 $0x600, s10  }
0x11: {  	v14 =	vor.u32 $0x3040, v1;
	v15 =	vor.u32 $0x3800, v1;
	v16 =	vor.u32 $0x3840, v1;
	s9 =	smax.u32 s11, $0x1;
	s10 =	simm.s32 $0x80;
	s11 =	simm.s32 $0x100  }
.LBB2_1:
0x12: {  	[tilespmem:s4], [sflag:$0x1] =	stream.linear.gather [hbm4b:s5+s4], $0x80, $0x38;
	[tilespmem:$0xC200] =	vst v63  }
0x13: {  	_ = 	snop  }
0x14: {  	[tilespmem:s10], [sflag:$0x2] =	stream.linear.gather [hbm4b:s6+s4], $0x80, $0x38;
	[tilespmem:$0xC200] =	vst v63  }
0x15: {  	_ = 	snop  }
0x16: {  	[tilespmem:s11], [sflag:$0x3] =	stream.linear.gather [hbm4b:s7+s4], $0x80, $0x38;
	[tilespmem:$0xC200] =	vst v63  }
0x17: {  	_ =	swait.ge [sflag:s12], $0x80  }
0x18: {  	[sflag:s12] =	ssyncset.done $0x0  }
0x19: {  	[sflag:s12] =	ssyncadd.s32 $0xFFFFFF80  }
0x1a: {  	[tilespmem:s14], [sflag:$0x4] =	stream.indirect.gather [hbm4b:s1+s13], $0x80, s4, s13, $0xb8;
	[tilespmem:$0xC200] =	vst v63  }
0x1b: {  	_ = 	snop  }
0x1c: {  	[tilespmem:s15], [sflag:$0x5] =	stream.indirect.gather [hbm4b:s1+s13], $0x80, s13, s13, $0xb8;
	[tilespmem:$0xC200] =	vst v63  }
0x1d: {  	_ =	swait.ge [sflag:s16], $0x80  }
0x1e: {  	[sflag:s16] =	ssyncset.done $0x0  }
0x1f: {  	[sflag:s16] =	ssyncadd.s32 $0xFFFFFF80  }
0x20: {  	[tilespmem:s17], [sflag:$0x4] =	stream.indirect.gather [hbm4b:s2+s13], $0x80, s10, s13, $0xb8;
	[tilespmem:$0xC200] =	vst v63  }
0x21: {  	_ = 	snop  }
0x22: {  	[tilespmem:s19], [sflag:$0x5] =	stream.indirect.gather [hbm4b:s2+s13], $0x80, s18, s13, $0xb8;
	[tilespmem:$0xC200] =	vst v63  }
0x23: {  	_ =	swait.ge [sflag:s20], $0x80  }
0x24: {  	[sflag:s20] =	ssyncset.done $0x0  }
0x25: {  	[sflag:s20] =	ssyncadd.s32 $0xFFFFFF80  }
0x26: {  	[tilespmem:s21], [sflag:$0x4] =	stream.indirect.gather [hbm4b:s1+s13], $0x80, s11, s13, $0xb8;
	[tilespmem:$0xC200] =	vst v63  }
0x27: {  	_ = 	snop  }
0x28: {  	[tilespmem:s23], [sflag:$0x5] =	stream.indirect.gather [hbm4b:s1+s13], $0x80, s22, s13, $0xb8;
	[tilespmem:$0xC200] =	vst v63  }
0x29: {  	_ =	swait.ge [sflag:s24], $0x2000  }
0x2a: {  	[sflag:s24] =	ssyncset.done $0x0  }
0x2b: {  	[sflag:s24] =	ssyncadd.s32 $0xFFFFE000  }
0x2c: {  	v17 =	vadd.s32 s4, v0;
	_ =	swait.ge [sflag:s24], $0x2000  }
0x2d: {  	v18 =	vor.u32 v2, v17;
	[sflag:s24] =	ssyncset.done $0x0  }
0x2e: {  	[sflag:s24] =	ssyncadd.s32 $0xFFFFE000  }
0x2f: {  	_ =	swait.ge [sflag:s24], $0x2000  }
0x30: {  	v21 =	vor.u32 v4, v17;
	[sflag:s24] =	ssyncset.done $0x0  }
0x31: {  	[sflag:s24] =	ssyncadd.s32 $0xFFFFE000  }
0x32: {  	v26 =	vor.u32 v6, v17;
	v22 =	vld.idx.msk [tilespmem:v18+s21+$0x0], $0xffff  }
0x33: {  	v27 =	vld.idx.msk [tilespmem:v18+s14+$0x0], $0xffff  }
0x34: {  	v25 =	vor.u32 v8, v17;
	v29 =	vld.idx.msk [tilespmem:v18+s17+$0x0], $0xffff  }
0x35: {  	v18 =	vand.u32 $0x3F, v17;
	v28 =	vld.idx.msk [tilespmem:v21+s14+$0x0], $0xffff  }
0x36: {  	v31 =	vld.idx.msk [tilespmem:v21+s17+$0x0], $0xffff;
	v23 =	vor.u32 v1, v18  }
0x37: {  	v30 =	vld.idx.msk [tilespmem:v26+s14+$0x0], $0xffff  }
0x38: {  	v32 =	vld.idx.msk [tilespmem:v26+s17+$0x0], $0xffff;
	v34 =	vor.u32 v3, v18  }
0x39: {  	v24 =	vld.idx.msk [tilespmem:v25+s14+$0x0], $0xffff  }
0x3a: {  	v33 =	vld.idx.msk [tilespmem:v25+s17+$0x0], $0xffff;
	v36 =	vor.u32 v5, v18  }
0x3b: {  	v20 =	vimm.f32 $0.0e+00;
	v19 =	vimm.f32 $0.0e+00;
	v37 =	vld.idx.msk [tilespmem:v23+s14+$0x0], $0xffff  }
0x3c: {  	s30 =	simm.s32 $0x1;
	v17 =	vimm.f32 $0.0e+00;
	v35 =	vor.u32 v7, v18;
	v18 =	vimm.f32 $0.0e+00;
	v38 =	vld.idx.msk [tilespmem:v23+s17+$0x0], $0xffff  }
.LBB2_2:
0x3d: {  	p0 =	sne.s32 s30, $0x3F;
	v39 =	vld.idx.msk [tilespmem:v34+s14+$0x0], $0xffff  }
0x3e: {  	v40 =	vld.idx.msk [tilespmem:v34+s17+$0x0], $0xffff  }
0x3f: {  	v41 =	vld.idx.msk [tilespmem:v36+s14+$0x0], $0xffff  }
0x40: {  	v42 =	vld.idx.msk [tilespmem:v36+s17+$0x0], $0xffff  }
0x41: {  	v43 =	vadd.s32 s30, v0;
	v44 =	vld.idx.msk [tilespmem:v35+s14+$0x0], $0xffff  }
0x42: {  	v46 =	vmul.f32 v29, v27;
	v48 =	vmul.f32 v31, v28;
	v45 =	vor.u32 v2, v43;
	v47 =	vld.idx.msk [tilespmem:v21+s21+$0x0], $0xffff  }
0x43: {  	v49 =	vmul.f32 v32, v30;
	v51 =	vmul.f32 v33, v24;
	v21 =	vor.u32 v4, v43;
	v50 =	vld.idx.msk [tilespmem:v35+s17+$0x0], $0xffff  }
0x44: {  	v52 =	vor.u32 v6, v43;
	v29 =	vmul.f32 v29, v37;
	v27 =	vmul.f32 v38, v27;
	v53 =	vld.idx.msk [tilespmem:v23+s21+$0x0], $0xffff  }
0x45: {  	v54 =	vor.u32 v8, v43;
	v31 =	vmul.f32 v31, v39;
	v28 =	vmul.f32 v40, v28;
	v34 =	vld.idx.msk [tilespmem:v34+s21+$0x0], $0xffff  }
0x46: {  	v43 =	vand.u32 $0x3F, v43;
	v32 =	vmul.f32 v32, v41;
	v30 =	vmul.f32 v42, v30;
	v36 =	vld.idx.msk [tilespmem:v36+s21+$0x0], $0xffff  }
0x47: {  	v37 =	vmul.f32 v38, v37;
	v23 =	vor.u32 v1, v43;
	v33 =	vmul.f32 v33, v44;
	v35 =	vld.idx.msk [tilespmem:v35+s21+$0x0], $0xffff  }
0x48: {  	v29 =	vadd.f32 v29, v27;
	v27 =	vmul.f32 v40, v39;
	v38 =	vmul.f32 v42, v41;
	v26 =	vld.idx.msk [tilespmem:v26+s21+$0x0], $0xffff  }
0x49: {  	v37 =	vsub.f32 v37, v46;
	v28 =	vadd.f32 v31, v28;
	v31 =	vmul.f32 v50, v44;
	v25 =	vld.idx.msk [tilespmem:v25+s21+$0x0], $0xffff  }
0x4a: {  	v40 =	vsub.f32 v27, v48;
	v38 =	vsub.f32 v38, v49;
	v24 =	vmul.f32 v50, v24;
	v39 =	vld.idx.msk [tilespmem:v45+s21+$0x0], $0xffff  }
0x4b: {  	v22 =	vmul.f32 v22, v29;
	v41 =	vmul.f32 v47, v28;
	v31 =	vsub.f32 v31, v51;
	v27 =	vld.idx.msk [tilespmem:v45+s14+$0x0], $0xffff  }
0x4c: {  	v30 =	vadd.f32 v32, v30;
	v37 =	vmul.f32 v37, v53;
	v34 =	vmul.f32 v40, v34;
	v29 =	vld.idx.msk [tilespmem:v45+s17+$0x0], $0xffff  }
0x4d: {  	v24 =	vadd.f32 v33, v24;
	v32 =	vmul.f32 v38, v36;
	v35 =	vmul.f32 v31, v35;
	v28 =	vld.idx.msk [tilespmem:v21+s14+$0x0], $0xffff  }
0x4e: {  	v17 =	vadd.f32 v37, v17;
	v20 =	vadd.f32 v34, v20;
	v33 =	vmul.f32 v26, v30;
	v31 =	vld.idx.msk [tilespmem:v21+s17+$0x0], $0xffff  }
0x4f: {  	v19 =	vadd.f32 v32, v19;
	v18 =	vadd.f32 v35, v18;
	v35 =	vmul.f32 v25, v24;
	v30 =	vld.idx.msk [tilespmem:v52+s14+$0x0], $0xffff  }
.Ltmp0:
0x50: {  	v34 =	vor.u32 v3, v43;
	v17 =	vadd.f32 v17, v22;
	v20 =	vadd.f32 v20, v41;
	v32 =	vld.idx.msk [tilespmem:v52+s17+$0x0], $0xffff;
	(pc) =	sbr.rel @p0 .LBB2_2-.Ltmp0, $4  }
0x51: {  	v26 =	vmovc v52;
	v25 =	vmov v54;
	v19 =	vadd.f32 v19, v33;
	v18 =	vadd.f32 v18, v35;
	v24 =	vld.idx.msk [tilespmem:v54+s14+$0x0], $0xffff  }
0x52: {  	v36 =	vor.u32 v5, v43;
	v22 =	vmov v39;
	v33 =	vld.idx.msk [tilespmem:v54+s17+$0x0], $0xffff  }
0x53: {  	v37 =	vld.idx.msk [tilespmem:v23+s14+$0x0], $0xffff  }
0x54: {  	s30 =	sadd.s32 $0x1, s30;
	v35 =	vor.u32 v7, v43;
	v38 =	vld.idx.msk [tilespmem:v23+s17+$0x0], $0xffff  }
0x55: {  	_ =	sdelay $0x3  }
0x56: {  	v39 =	vld.idx.msk [tilespmem:v34+s14+$0x0], $0xffff  }
0x57: {  	v40 =	vld.idx.msk [tilespmem:v34+s17+$0x0], $0xffff  }
0x58: {  	v41 =	vld.idx.msk [tilespmem:v36+s14+$0x0], $0xffff  }
0x59: {  	v42 =	vld.idx.msk [tilespmem:v36+s17+$0x0], $0xffff;
	v43 =	vmul.f32 v29, v27  }
0x5a: {  	v44 =	vld.idx.msk [tilespmem:v35+s14+$0x0], $0xffff;
	v45 =	vmul.f32 v31, v28;
	v46 =	vmul.f32 v32, v30  }
0x5b: {  	v48 =	vld.idx.msk [tilespmem:v35+s17+$0x0], $0xffff;
	v47 =	vmul.f32 v33, v24;
	v29 =	vmul.f32 v29, v37  }
0x5c: {  	v21 =	vld.idx.msk [tilespmem:v21+s21+$0x0], $0xffff;
	v27 =	vmul.f32 v38, v27;
	v59 =	vmul.f32 v38, v37  }
0x5d: {  	v23 =	vld.idx.msk [tilespmem:v23+s21+$0x0], $0xffff;
	v31 =	vmul.f32 v31, v39;
	v28 =	vmul.f32 v40, v28  }
0x5e: {  	v58 =	vld.idx.msk [tilespmem:v34+s21+$0x0], $0xffff;
	v57 =	vmul.f32 v32, v41;
	v30 =	vmul.f32 v42, v30  }
0x5f: {  	v60 =	vld.idx.msk [tilespmem:v36+s21+$0x0], $0xffff;
	v61 =	vmul.f32 v33, v44;
	v27 =	vadd.f32 v29, v27;
	v29 =	vmul.f32 v40, v39  }
0x60: {  	v62 =	vld.idx.msk [tilespmem:v35+s21+$0x0], $0xffff;
	v63 =	vmul.f32 v42, v41;
	v24 =	vmul.f32 v48, v24;
	v37 =	vsub.f32 v59, v43  }
0x61: {  	v26 =	vld.idx.msk [tilespmem:v26+s21+$0x0], $0xffff;
	v28 =	vadd.f32 v31, v28;
	v31 =	vmul.f32 v48, v44;
	v29 =	vsub.f32 v29, v45  }
0x62: {  	v25 =	vld.idx.msk [tilespmem:v25+s21+$0x0], $0xffff;
	v38 =	vsub.f32 v63, v46;
	v22 =	vmul.f32 v22, v27;
	v23 =	vmul.f32 v37, v23  }
0x63: {  	v21 =	vmul.f32 v21, v28;
	v27 =	vsub.f32 v31, v47;
	v28 =	vmul.f32 v29, v58  }
0x64: {  	v29 =	vadd.f32 v57, v30;
	v30 =	vmul.f32 v38, v60;
	v17 =	vadd.f32 v23, v17  }
0x65: {  	v24 =	vadd.f32 v61, v24;
	v23 =	vmul.f32 v27, v62;
	v20 =	vadd.f32 v28, v20  }
0x66: {  	v26 =	vmul.f32 v26, v29;
	v19 =	vadd.f32 v30, v19;
	v17 =	vadd.f32 v17, v22  }
0x67: {  	v22 =	vmul.f32 v25, v24;
	v18 =	vadd.f32 v23, v18;
	v20 =	vadd.f32 v20, v21  }
0x68: {  	v19 =	vadd.f32 v19, v26;
	[tilespmem:$0xC180] =	vst v17  }
0x69: {  	v17 =	vadd.f32 v18, v22;
	[tilespmem:$0xC190] =	vst v20  }
0x6a: {  	[tilespmem:$0xC1A0] =	vst v19  }
0x6b: {  	[tilespmem:$0xC1B0] =	vst v17  }
0x6c: {  	_ =	swait.ge [sflag:s25], $0x2000  }
0x6d: {  	[sflag:s25] =	ssyncset.done $0x0  }
0x6e: {  	s30 =	simm.s32 $0x0;
	[sflag:s25] =	ssyncadd.s32 $0xFFFFE000  }
0x6f: {  	v17 =	vadd.s32 s30, v0;
	_ =	swait.ge [sflag:s25], $0x2000  }
0x70: {  	v18 =	vor.u32 v10, v17;
	[sflag:s25] =	ssyncset.done $0x0  }
0x71: {  	[sflag:s25] =	ssyncadd.s32 $0xFFFFE000  }
0x72: {  	_ =	swait.ge [sflag:s25], $0x2000  }
0x73: {  	v21 =	vor.u32 v12, v17;
	[sflag:s25] =	ssyncset.done $0x0  }
0x74: {  	[sflag:s25] =	ssyncadd.s32 $0xFFFFE000  }
0x75: {  	v26 =	vor.u32 v14, v17;
	v22 =	vld.idx.msk [tilespmem:v18+s21+$0x0], $0xffff  }
0x76: {  	v27 =	vld.idx.msk [tilespmem:v18+s14+$0x0], $0xffff  }
0x77: {  	v25 =	vor.u32 v16, v17;
	v29 =	vld.idx.msk [tilespmem:v18+s17+$0x0], $0xffff  }
0x78: {  	v18 =	vand.u32 $0x3F, v17;
	v28 =	vld.idx.msk [tilespmem:v21+s14+$0x0], $0xffff  }
0x79: {  	v31 =	vld.idx.msk [tilespmem:v21+s17+$0x0], $0xffff;
	v23 =	vor.u32 v9, v18  }
0x7a: {  	v30 =	vld.idx.msk [tilespmem:v26+s14+$0x0], $0xffff  }
0x7b: {  	v32 =	vld.idx.msk [tilespmem:v26+s17+$0x0], $0xffff;
	v34 =	vor.u32 v11, v18  }
0x7c: {  	v24 =	vld.idx.msk [tilespmem:v25+s14+$0x0], $0xffff  }
0x7d: {  	v33 =	vld.idx.msk [tilespmem:v25+s17+$0x0], $0xffff;
	v36 =	vor.u32 v13, v18  }
0x7e: {  	v20 =	vimm.f32 $0.0e+00;
	v19 =	vimm.f32 $0.0e+00;
	v37 =	vld.idx.msk [tilespmem:v23+s14+$0x0], $0xffff  }
0x7f: {  	s30 =	simm.s32 $0x1;
	v17 =	vimm.f32 $0.0e+00;
	v35 =	vor.u32 v15, v18;
	v18 =	vimm.f32 $0.0e+00;
	v38 =	vld.idx.msk [tilespmem:v23+s17+$0x0], $0xffff  }
.LBB2_4:
0x80: {  	p0 =	sne.s32 s30, $0x3F;
	v39 =	vld.idx.msk [tilespmem:v34+s14+$0x0], $0xffff  }
0x81: {  	v40 =	vld.idx.msk [tilespmem:v34+s17+$0x0], $0xffff  }
0x82: {  	v41 =	vld.idx.msk [tilespmem:v36+s14+$0x0], $0xffff  }
0x83: {  	v42 =	vld.idx.msk [tilespmem:v36+s17+$0x0], $0xffff  }
0x84: {  	v43 =	vadd.s32 s30, v0;
	v44 =	vld.idx.msk [tilespmem:v35+s14+$0x0], $0xffff  }
0x85: {  	v46 =	vmul.f32 v29, v27;
	v48 =	vmul.f32 v31, v28;
	v45 =	vor.u32 v10, v43;
	v47 =	vld.idx.msk [tilespmem:v21+s21+$0x0], $0xffff  }
0x86: {  	v49 =	vmul.f32 v32, v30;
	v51 =	vmul.f32 v33, v24;
	v21 =	vor.u32 v12, v43;
	v50 =	vld.idx.msk [tilespmem:v35+s17+$0x0], $0xffff  }
0x87: {  	v52 =	vor.u32 v14, v43;
	v29 =	vmul.f32 v29, v37;
	v27 =	vmul.f32 v38, v27;
	v53 =	vld.idx.msk [tilespmem:v23+s21+$0x0], $0xffff  }
0x88: {  	v54 =	vor.u32 v16, v43;
	v31 =	vmul.f32 v31, v39;
	v28 =	vmul.f32 v40, v28;
	v34 =	vld.idx.msk [tilespmem:v34+s21+$0x0], $0xffff  }
0x89: {  	v43 =	vand.u32 $0x3F, v43;
	v32 =	vmul.f32 v32, v41;
	v30 =	vmul.f32 v42, v30;
	v36 =	vld.idx.msk [tilespmem:v36+s21+$0x0], $0xffff  }
0x8a: {  	v37 =	vmul.f32 v38, v37;
	v23 =	vor.u32 v9, v43;
	v33 =	vmul.f32 v33, v44;
	v35 =	vld.idx.msk [tilespmem:v35+s21+$0x0], $0xffff  }
0x8b: {  	v29 =	vadd.f32 v29, v27;
	v27 =	vmul.f32 v40, v39;
	v38 =	vmul.f32 v42, v41;
	v26 =	vld.idx.msk [tilespmem:v26+s21+$0x0], $0xffff  }
0x8c: {  	v37 =	vsub.f32 v37, v46;
	v28 =	vadd.f32 v31, v28;
	v31 =	vmul.f32 v50, v44;
	v25 =	vld.idx.msk [tilespmem:v25+s21+$0x0], $0xffff  }
0x8d: {  	v40 =	vsub.f32 v27, v48;
	v38 =	vsub.f32 v38, v49;
	v24 =	vmul.f32 v50, v24;
	v39 =	vld.idx.msk [tilespmem:v45+s21+$0x0], $0xffff  }
0x8e: {  	v22 =	vmul.f32 v22, v29;
	v41 =	vmul.f32 v47, v28;
	v31 =	vsub.f32 v31, v51;
	v27 =	vld.idx.msk [tilespmem:v45+s14+$0x0], $0xffff  }
0x8f: {  	v30 =	vadd.f32 v32, v30;
	v37 =	vmul.f32 v37, v53;
	v34 =	vmul.f32 v40, v34;
	v29 =	vld.idx.msk [tilespmem:v45+s17+$0x0], $0xffff  }
0x90: {  	v24 =	vadd.f32 v33, v24;
	v32 =	vmul.f32 v38, v36;
	v35 =	vmul.f32 v31, v35;
	v28 =	vld.idx.msk [tilespmem:v21+s14+$0x0], $0xffff  }
0x91: {  	v17 =	vadd.f32 v37, v17;
	v20 =	vadd.f32 v34, v20;
	v33 =	vmul.f32 v26, v30;
	v31 =	vld.idx.msk [tilespmem:v21+s17+$0x0], $0xffff  }
0x92: {  	v19 =	vadd.f32 v32, v19;
	v18 =	vadd.f32 v35, v18;
	v35 =	vmul.f32 v25, v24;
	v30 =	vld.idx.msk [tilespmem:v52+s14+$0x0], $0xffff  }
.Ltmp1:
0x93: {  	v34 =	vor.u32 v11, v43;
	v17 =	vadd.f32 v17, v22;
	v20 =	vadd.f32 v20, v41;
	v32 =	vld.idx.msk [tilespmem:v52+s17+$0x0], $0xffff;
	(pc) =	sbr.rel @p0 .LBB2_4-.Ltmp1, $4  }
0x94: {  	v26 =	vmovc v52;
	v25 =	vmov v54;
	v19 =	vadd.f32 v19, v33;
	v18 =	vadd.f32 v18, v35;
	v24 =	vld.idx.msk [tilespmem:v54+s14+$0x0], $0xffff  }
0x95: {  	v36 =	vor.u32 v13, v43;
	v22 =	vmov v39;
	v33 =	vld.idx.msk [tilespmem:v54+s17+$0x0], $0xffff  }
0x96: {  	v37 =	vld.idx.msk [tilespmem:v23+s14+$0x0], $0xffff  }
0x97: {  	s30 =	sadd.s32 $0x1, s30;
	v35 =	vor.u32 v15, v43;
	v38 =	vld.idx.msk [tilespmem:v23+s17+$0x0], $0xffff  }
0x98: {  	_ =	sdelay $0x3  }
0x99: {  	v39 =	vld.idx.msk [tilespmem:v34+s14+$0x0], $0xffff  }
0x9a: {  	v40 =	vld.idx.msk [tilespmem:v34+s17+$0x0], $0xffff  }
0x9b: {  	v41 =	vld.idx.msk [tilespmem:v36+s14+$0x0], $0xffff  }
0x9c: {  	v42 =	vld.idx.msk [tilespmem:v36+s17+$0x0], $0xffff  }
0x9d: {  	v43 =	vmul.f32 v29, v27;
	v44 =	vld.idx.msk [tilespmem:v35+s14+$0x0], $0xffff;
	v45 =	vmul.f32 v31, v28  }
0x9e: {  	v46 =	vmul.f32 v32, v30;
	v47 =	vmul.f32 v33, v24  }
0x9f: {  	v48 =	vld.idx.msk [tilespmem:v35+s17+$0x0], $0xffff;
	v58 =	vmul.f32 v29, v37;
	v59 =	vmul.f32 v38, v27  }
0xa0: {  	v21 =	vld.idx.msk [tilespmem:v21+s21+$0x0], $0xffff;
	v50 =	vmul.f32 v38, v37;
	v60 =	vmul.f32 v31, v39  }
0xa1: {  	v23 =	vld.idx.msk [tilespmem:v23+s21+$0x0], $0xffff;
	v61 =	vmul.f32 v40, v28;
	v62 =	vmul.f32 v32, v41  }
0xa2: {  	v63 =	vld.idx.msk [tilespmem:v34+s21+$0x0], $0xffff;
	v49 =	vmul.f32 v42, v30;
	v52 =	vmul.f32 v33, v44  }
0xa3: {  	v51 =	vld.idx.msk [tilespmem:v36+s21+$0x0], $0xffff;
	v53 =	vmul.f32 v40, v39;
	v55 =	vmul.f32 v42, v41  }
0xa4: {  	v54 =	vld.idx.msk [tilespmem:v35+s21+$0x0], $0xffff;
	v56 =	vmul.f32 v48, v44;
	v27 =	vadd.f32 v58, v59;
	v37 =	vsub.f32 v50, v43  }
0xa5: {  	v26 =	vld.idx.msk [tilespmem:v26+s21+$0x0], $0xffff;
	v57 =	vmul.f32 v48, v24;
	v28 =	vadd.f32 v60, v61;
	v29 =	vsub.f32 v53, v45  }
0xa6: {  	v25 =	vld.idx.msk [tilespmem:v25+s21+$0x0], $0xffff;
	v38 =	vsub.f32 v55, v46;
	v58 =	vsub.f32 v56, v47;
	v23 =	vmul.f32 v37, v23  }
0xa7: {  	v60 =	vadd.f32 v62, v49;
	v24 =	vadd.f32 v52, v57;
	v59 =	vmul.f32 v29, v63  }
0xa8: {  	v22 =	vmul.f32 v22, v27;
	v61 =	vmul.f32 v38, v51;
	v17 =	vadd.f32 v23, v17  }
0xa9: {  	v21 =	vmul.f32 v21, v28;
	v62 =	vmul.f32 v58, v54;
	v20 =	vadd.f32 v59, v20  }
0xaa: {  	v26 =	vmul.f32 v26, v60;
	v19 =	vadd.f32 v61, v19;
	v17 =	vadd.f32 v17, v22  }
0xab: {  	v63 =	vmul.f32 v25, v24;
	v18 =	vadd.f32 v62, v18;
	v20 =	vadd.f32 v20, v21  }
0xac: {  	v19 =	vadd.f32 v19, v26;
	[tilespmem:$0xC1C0] =	vst v17  }
0xad: {  	s29 =	sadd.s32 $0x1, s29;
	v17 =	vadd.f32 v18, v63;
	[tilespmem:$0xC1D0] =	vst v20  }
0xae: {  	p0 =	sne.s32 s29, s9;
	[tilespmem:$0xC1E0] =	vst v19  }
.Ltmp2:
0xaf: {  	[tilespmem:$0xC1F0] =	vst v17;
	(pc) =	sbr.rel @p0 .LBB2_1-.Ltmp2, $4  }
0xb0: {  	[hbm4b:s8+s4] =	stream.linear.scatter [tilespmem:s26], [sflag:$0x6], $0x80, $0x38;
	[tilespmem:$0xC200] =	vst v63  }
0xb1: {  	_ =	swait.ge [sflag:s28], $0x80  }
0xb2: {  	[sflag:s28] =	ssyncset.done $0x0  }
0xb3: {  	[sflag:s28] =	ssyncadd.s32 $0xFFFFFF80  }
0xb4: {  	_ =	sfence.sel $0x180000  }
0xb5: {  	[bflag:$0x0] =	sbarrier.arrive $0xFFFF  }
0xb6: {  	p0 =	sne.s32 s3, $0x0;
	_ =	strace $0x90000047  }
0xb7: {  	s0 =	sadd.s32 @!p0 $0x100000, s0;
	[bflag:$0x2] =	sbarrier.arrive $0xFFFF  }
0xb8: {  	[sflag:s0] =	ssyncadd.tile.s32 @!p0 $0x1;
	_ =	shalt  }
.Lfunc_end2:
_tile_overlayer_lowered:
.L_overlay_start_2:
0xb9: {  	(tag) =	ssettag $0x2  }
0xba: {  	s0 =	rddreg [dreg:$0x0];
	s2 =	stileid.u32  }
0xbb: {  	s1 =	rddreg [dreg:$0x1];
	p0 =	sne.s32 s2, $0x0  }
0xbc: {  	s3 =	rddreg [dreg:$0x2];
	[bflag:$0x3] =	sbarrier.arrive $0xFFFF;
	s2 =	simm.s32 @!p0 $0x1C06  }
0xbd: {  	[timem:s3], [sflag:s2] =	dma.local @!p0 [hbm:s0], s1  }
0xbe: {  	s0 =	simm.s32 @!p0 $0x6  }
0xbf: {  	_ =	swait.ge @!p0 [sflag:s0], s1  }
0xc0: {  	s1 =	ssub.s32 @!p0 $0x0, s1;
	[sflag:s0] =	ssyncset.done @!p0 $0x0  }
0xc1: {  	[sflag:s0] =	ssyncadd.s32 @!p0 s1  }
0xc2: {  	[bflag:$0x3] =	sbarrier.arrive $0xFFFF  }
0xc3: {  	_ =	shalt  }

</sc_bundles>
